<compile_context>
chip_gen: v7x
topology: tpu7x:2x2x1
jax: 0.10.2.dev20260603
libtpu: 0.0.44.dev20260713+nightly
codegen_flags: <defaults>
</compile_context>

<pallas_src>
import functools

import jax
import jax.numpy as jnp
from jax import lax
from jax.experimental import pallas as pl
from jax.experimental.pallas import tpu as pltpu
from jax.experimental.pallas import tpu_sc as plsc

BATCH = 16384
DIM = 128
NROWS = 8
CHUNK = 64


def _body(types_hbm, labels_hbm, table_hbm, out_hbm,
          t_v, l_v, stab, rows_v, gsem, osem, *, bpw):
    info = plsc.get_sparse_core_info()
    nc, lanes = info.num_cores, info.num_lanes
    nchunk = bpw // CHUNK

    sid = lax.axis_index("s")
    wid = sid * nc + lax.axis_index("c")
    base = wid * bpw
    row_off = sid * NROWS

    pltpu.sync_copy(table_hbm, stab.at[pl.ds(row_off, NROWS)])

    pltpu.sync_copy(types_hbm.at[pl.ds(base, bpw)], t_v)
    pltpu.sync_copy(labels_hbm.at[pl.ds(base, bpw)], l_v)

    gpc = CHUNK // lanes

    for j in range(nchunk):
        def fire(g, carry, j=j):
            off = pl.multiple_of(g * lanes, lanes)
            s = pl.ds(off, lanes)
            ids = t_v[s] * 2 + l_v[s] + row_off
            pltpu.async_copy(stab.at[ids], rows_v.at[s], gsem.at[j])
            return carry
        lax.fori_loop(j * gpc, (j + 1) * gpc, fire, 0, unroll=False)

    stores = []
    for j in range(nchunk):
        rows = pl.ds(j * CHUNK, CHUNK)
        pltpu.make_async_copy(out_hbm.at[pl.ds(base + j * CHUNK, CHUNK)],
                              rows_v.at[rows], gsem.at[j]).wait()
        stores.append(
            pltpu.async_copy(rows_v.at[rows],
                             out_hbm.at[pl.ds(base + j * CHUNK, CHUNK)],
                             osem))
    for s_ in stores:
        s_.wait()


def _sc_call(types, labels, table):
    info = plsc.get_sparse_core_info()
    nw = info.num_cores * info.num_subcores
    n = types.shape[0]
    bpw = n // nw
    nchunk = bpw // CHUNK
    mesh = plsc.VectorSubcoreMesh(core_axis_name="c", subcore_axis_name="s")
    f = functools.partial(
        pl.kernel,
        mesh=mesh,
        out_type=jax.ShapeDtypeStruct((n, DIM), jnp.float32),
        scratch_types=[
            pltpu.VMEM((bpw,), jnp.int32),
            pltpu.VMEM((bpw,), jnp.int32),
            pltpu.VMEM_SHARED((16 * NROWS, DIM), jnp.float32),
            pltpu.VMEM((bpw, DIM), jnp.float32),
            pltpu.SemaphoreType.DMA((nchunk,)),
            pltpu.SemaphoreType.DMA,
        ],
    )(functools.partial(_body, bpw=bpw))
    return f(types, labels, table)


def kernel(interaction_types, labels, embedding_weight):
    return _sc_call(interaction_types.astype(jnp.int32),
                    labels.astype(jnp.int32),
                    embedding_weight)

# --- scband reference (transcript-rebuilt; emitter-appended) ---
"""Pipeline reference for scband-interaction-encoder-20804821582202 (READ-ONLY COPY).

The authoritative reference and input builder live on the scoring server;
editing this copy changes nothing except your own understanding.
"""

import jax, jax.numpy as jnp
import numpy as np

# Original torch module maps string interaction types {'B':0,'F':1,'A':2, unknown:3}
# to int ids; here the string->int mapping is assumed pre-applied, so
# interaction_types is int64 in [0,4) and labels is int64 in {0,1}.
# emb_id = type_id * 2 + label, gathered from an 8-row embedding table.

NUM_ROWS = (3 + 1) * 2  # 8
OUTPUT_DIM = 128
BATCH = 16384

def setup_inputs(seed: int = 0) -> dict:
    key = jax.random.key(seed)
    k1, k2, k3 = jax.random.split(key, 3)
    interaction_types = jax.random.randint(k1, (BATCH,), 0, 4, dtype=jnp.int64 if jax.config.read('jax_enable_x64') else jnp.int32)
    labels = jax.random.randint(k2, (BATCH,), 0, 2, dtype=jnp.int64 if jax.config.read('jax_enable_x64') else jnp.int32)
    embedding_weight = jax.random.normal(k3, (NUM_ROWS, OUTPUT_DIM), dtype=jnp.float32)
    return {
        'interaction_types': interaction_types,
        'labels': labels,
        'embedding_weight': embedding_weight,
    }

def reference(interaction_types, labels, embedding_weight):
    # emb_ids[i] = INTERACTION_TYPE[t_i] * 2 + int(l_i)
    emb_ids = interaction_types * 2 + labels
    # nn.Embedding lookup -> row gather
    return jnp.take(embedding_weight, emb_ids, axis=0)

if __name__ == "__main__":
    import jax
    _d = setup_inputs()
    print(jax.jit(kernel)(*tuple(_d.values())))

</pallas_src>

<mosaic_0001>
#map = affine_map<(d0, d1) -> (0)>
#map1 = affine_map<(d0, d1) -> (0, 0)>
module attributes {stable_mosaic.version = 14 : i64} {
  func.func @_body(%arg0: i32, %arg1: i32, %arg2: memref<16384xi32, #tpu.memory_space<hbm>>, %arg3: memref<16384xi32, #tpu.memory_space<hbm>>, %arg4: memref<8x128xf32, #tpu.memory_space<hbm>>, %arg5: memref<16384x128xf32, #tpu.memory_space<hbm>>, %arg6: memref<512xi32, #tpu.memory_space<vmem>>, %arg7: memref<512xi32, #tpu.memory_space<vmem>>, %arg8: memref<128x128xf32, #tpu.memory_space<vmem_shared>>, %arg9: memref<512x128xf32, #tpu.memory_space<vmem>>, %arg10: memref<8x!tpu.dma_semaphore, #tpu.memory_space<semaphore_mem>>, %arg11: memref<!tpu.dma_semaphore, #tpu.memory_space<semaphore_mem>>) attributes {dimension_semantics = [#tpu.dimension_semantics<core_parallel>, #tpu.dimension_semantics<subcore_parallel>], iteration_bounds = array<i64: 2, 16>, scalar_prefetch = 0 : i64, scratch_operands = 6 : i64, tpu.core_type = #tpu.core_type<sc_vector_subcore>, window_params = [{transform_indices = #map}, {transform_indices = #map}, {transform_indices = #map1}, {transform_indices = #map1}]} {
    %mul3A = arith.constant 2 : i32
    %mul3A_0 = arith.muli %arg1, %mul3A : i32
    %add3A = arith.addi %mul3A_0, %arg0 : i32
    %mul3A_1 = arith.constant 512 : i32
    %mul3A_2 = arith.muli %add3A, %mul3A_1 : i32
    %mul3A_3 = arith.constant 8 : i32
    %mul3A_4 = arith.muli %arg1, %mul3A_3 : i32
    "tpu.region"() ({
      %run_scoped3A = tpu.sem_alloc : memref<!tpu.dma_semaphore, #tpu.memory_space<semaphore_mem>>
      %dma_start3A_346 = arith.constant 0 : i32
      %dma_start3A_347 = tpu.memref_slice %arg8[%mul3A_4, %dma_start3A_346] : memref<128x128xf32, #tpu.memory_space<vmem_shared>> -> memref<8x128xf32, #tpu.memory_space<vmem_shared>>
      tpu.enqueue_dma source(%arg4 : memref<8x128xf32, #tpu.memory_space<hbm>>) target(%dma_start3A_347 : memref<8x128xf32, #tpu.memory_space<vmem_shared>>) target_semaphore(%run_scoped3A : memref<!tpu.dma_semaphore, #tpu.memory_space<semaphore_mem>>)
      %dma_wait3A_348 = arith.constant 0 : i32
      %dma_wait3A_349 = tpu.memref_slice %arg8[%mul3A_4, %dma_wait3A_348] : memref<128x128xf32, #tpu.memory_space<vmem_shared>> -> memref<8x128xf32, #tpu.memory_space<vmem_shared>>
      tpu.wait_dma2 semaphore(%run_scoped3A : memref<!tpu.dma_semaphore, #tpu.memory_space<semaphore_mem>>) src(%arg4 : memref<8x128xf32, #tpu.memory_space<hbm>>) dst(%dma_wait3A_349 : memref<8x128xf32, #tpu.memory_space<vmem_shared>>)
      tpu.yield
    }) : () -> ()
    "tpu.region"() ({
      %run_scoped3A = tpu.sem_alloc : memref<!tpu.dma_semaphore, #tpu.memory_space<semaphore_mem>>
      %dma_start3A_346 = tpu.memref_slice %arg2[%mul3A_2] : memref<16384xi32, #tpu.memory_space<hbm>> -> memref<512xi32, #tpu.memory_space<hbm>>
      %dma_start3A_347 = tpu.memref_slice %arg2[%mul3A_2] : memref<16384xi32, #tpu.memory_space<hbm>> -> memref<512xi32, #tpu.memory_space<hbm>>
      tpu.enqueue_dma source(%dma_start3A_347 : memref<512xi32, #tpu.memory_space<hbm>>) target(%arg6 : memref<512xi32, #tpu.memory_space<vmem>>) target_semaphore(%run_scoped3A : memref<!tpu.dma_semaphore, #tpu.memory_space<semaphore_mem>>)
      %dma_wait3A_348 = tpu.memref_slice %arg2[%mul3A_2] : memref<16384xi32, #tpu.memory_space<hbm>> -> memref<512xi32, #tpu.memory_space<hbm>>
      %dma_wait3A_349 = tpu.memref_slice %arg2[%mul3A_2] : memref<16384xi32, #tpu.memory_space<hbm>> -> memref<512xi32, #tpu.memory_space<hbm>>
      tpu.wait_dma2 semaphore(%run_scoped3A : memref<!tpu.dma_semaphore, #tpu.memory_space<semaphore_mem>>) src(%dma_wait3A_349 : memref<512xi32, #tpu.memory_space<hbm>>) dst(%arg6 : memref<512xi32, #tpu.memory_space<vmem>>)
      tpu.yield
    }) : () -> ()
    "tpu.region"() ({
      %run_scoped3A = tpu.sem_alloc : memref<!tpu.dma_semaphore, #tpu.memory_space<semaphore_mem>>
      %dma_start3A_346 = tpu.memref_slice %arg3[%mul3A_2] : memref<16384xi32, #tpu.memory_space<hbm>> -> memref<512xi32, #tpu.memory_space<hbm>>
      %dma_start3A_347 = tpu.memref_slice %arg3[%mul3A_2] : memref<16384xi32, #tpu.memory_space<hbm>> -> memref<512xi32, #tpu.memory_space<hbm>>
      tpu.enqueue_dma source(%dma_start3A_347 : memref<512xi32, #tpu.memory_space<hbm>>) target(%arg7 : memref<512xi32, #tpu.memory_space<vmem>>) target_semaphore(%run_scoped3A : memref<!tpu.dma_semaphore, #tpu.memory_space<semaphore_mem>>)
      %dma_wait3A_348 = tpu.memref_slice %arg3[%mul3A_2] : memref<16384xi32, #tpu.memory_space<hbm>> -> memref<512xi32, #tpu.memory_space<hbm>>
      %dma_wait3A_349 = tpu.memref_slice %arg3[%mul3A_2] : memref<16384xi32, #tpu.memory_space<hbm>> -> memref<512xi32, #tpu.memory_space<hbm>>
      tpu.wait_dma2 semaphore(%run_scoped3A : memref<!tpu.dma_semaphore, #tpu.memory_space<semaphore_mem>>) src(%dma_wait3A_349 : memref<512xi32, #tpu.memory_space<hbm>>) dst(%arg7 : memref<512xi32, #tpu.memory_space<vmem>>)
      tpu.yield
    }) : () -> ()
    %scan3A = arith.constant 0 : i32
    %scan3A_5 = arith.constant 0 : i32
    %scan3A_6 = arith.constant 4 : i32
    %scan3A_7 = arith.addi %scan3A_5, %scan3A_6 : i32
    %scan3A_8 = arith.constant 1 : i32
    scf.for %scan3A_346 = %scan3A_5 to %scan3A_7 step %scan3A_8  : i32 {
      %mul3A_347 = arith.constant 16 : i32
      %mul3A_348 = arith.muli %scan3A_346, %mul3A_347 : i32
      %multiple_of3A = tpu.assume_multiple %mul3A_348, 16 : i32
      %get3A = arith.index_cast %multiple_of3A : i32 to index
      %get3A_349 = tpu.vector_load %arg6[%get3A] {strides = array<i32>} : memref<512xi32, #tpu.memory_space<vmem>>, vector<16xi32>,
      %get3A_350 = vector.shape_cast %get3A_349 : vector<16xi32> to vector<16xi32>
      %mul3A_351 = arith.constant 2 : i32
      %mul3A_352 = vector.broadcast %mul3A_351 : i32 to vector<16xi32>
      %mul3A_353 = arith.muli %get3A_350, %mul3A_352 : vector<16xi32>
      %get3A_354 = arith.index_cast %multiple_of3A : i32 to index
      %get3A_355 = tpu.vector_load %arg7[%get3A_354] {strides = array<i32>} : memref<512xi32, #tpu.memory_space<vmem>>, vector<16xi32>,
      %get3A_356 = vector.shape_cast %get3A_355 : vector<16xi32> to vector<16xi32>
      %add3A_357 = arith.addi %mul3A_353, %get3A_356 : vector<16xi32>
      %add3A_358 = vector.broadcast %mul3A_4 : i32 to vector<16xi32>
      %add3A_359 = arith.addi %add3A_357, %add3A_358 : vector<16xi32>
      %dma_start3A_360 = arith.constant 0 : i32
      %dma_start3A_361 = arith.constant 0 : i32
      %dma_start3A_362 = tpu.memref_slice %arg9[%multiple_of3A, %dma_start3A_361] : memref<512x128xf32, #tpu.memory_space<vmem>> -> memref<16x128xf32, #tpu.memory_space<vmem>>
      %dma_start3A_363 = arith.constant 0 : i32
      %dma_start3A_364 = arith.constant 0 : i32
      %dma_start3A_365 = tpu.memref_slice %arg8[%dma_start3A_363, %dma_start3A_364] : memref<128x128xf32, #tpu.memory_space<vmem_shared>> -> memref<128x128xf32, #tpu.memory_space<vmem_shared>>
      %dma_start3A_366 = tpu.memref_slice %arg10[%dma_start3A_360] : memref<8x!tpu.dma_semaphore, #tpu.memory_space<semaphore_mem>> -> memref<1x!tpu.dma_semaphore, #tpu.memory_space<semaphore_mem>>
      %dma_start3A_367 = tpu.memref_squeeze %dma_start3A_366 : memref<1x!tpu.dma_semaphore, #tpu.memory_space<semaphore_mem>> -> memref<!tpu.dma_semaphore, #tpu.memory_space<semaphore_mem>>
      tpu.enqueue_indirect_dma source(%dma_start3A_365 : memref<128x128xf32, #tpu.memory_space<vmem_shared>>) target(%dma_start3A_362 : memref<16x128xf32, #tpu.memory_space<vmem>>) offsets(%add3A_359 : vector<16xi32>) semaphore(%dma_start3A_367 : memref<!tpu.dma_semaphore, #tpu.memory_space<semaphore_mem>>)
    }
    %scan3A_9 = arith.constant 4 : i32
    %scan3A_10 = arith.constant 0 : i32
    %scan3A_11 = arith.constant 4 : i32
    %scan3A_12 = arith.constant 4 : i32
    %scan3A_13 = arith.addi %scan3A_11, %scan3A_12 : i32
    %scan3A_14 = arith.constant 1 : i32
    scf.for %scan3A_346 = %scan3A_11 to %scan3A_13 step %scan3A_14  : i32 {
      %mul3A_347 = arith.constant 16 : i32
      %mul3A_348 = arith.muli %scan3A_346, %mul3A_347 : i32
      %multiple_of3A = tpu.assume_multiple %mul3A_348, 16 : i32
      %get3A = arith.index_cast %multiple_of3A : i32 to index
      %get3A_349 = tpu.vector_load %arg6[%get3A] {strides = array<i32>} : memref<512xi32, #tpu.memory_space<vmem>>, vector<16xi32>,
      %get3A_350 = vector.shape_cast %get3A_349 : vector<16xi32> to vector<16xi32>
      %mul3A_351 = arith.constant 2 : i32
      %mul3A_352 = vector.broadcast %mul3A_351 : i32 to vector<16xi32>
      %mul3A_353 = arith.muli %get3A_350, %mul3A_352 : vector<16xi32>
      %get3A_354 = arith.index_cast %multiple_of3A : i32 to index
      %get3A_355 = tpu.vector_load %arg7[%get3A_354] {strides = array<i32>} : memref<512xi32, #tpu.memory_space<vmem>>, vector<16xi32>,
      %get3A_356 = vector.shape_cast %get3A_355 : vector<16xi32> to vector<16xi32>
      %add3A_357 = arith.addi %mul3A_353, %get3A_356 : vector<16xi32>
      %add3A_358 = vector.broadcast %mul3A_4 : i32 to vector<16xi32>
      %add3A_359 = arith.addi %add3A_357, %add3A_358 : vector<16xi32>
      %dma_start3A_360 = arith.constant 1 : i32
      %dma_start3A_361 = arith.constant 0 : i32
      %dma_start3A_362 = tpu.memref_slice %arg9[%multiple_of3A, %dma_start3A_361] : memref<512x128xf32, #tpu.memory_space<vmem>> -> memref<16x128xf32, #tpu.memory_space<vmem>>
      %dma_start3A_363 = arith.constant 0 : i32
      %dma_start3A_364 = arith.constant 0 : i32
      %dma_start3A_365 = tpu.memref_slice %arg8[%dma_start3A_363, %dma_start3A_364] : memref<128x128xf32, #tpu.memory_space<vmem_shared>> -> memref<128x128xf32, #tpu.memory_space<vmem_shared>>
      %dma_start3A_366 = tpu.memref_slice %arg10[%dma_start3A_360] : memref<8x!tpu.dma_semaphore, #tpu.memory_space<semaphore_mem>> -> memref<1x!tpu.dma_semaphore, #tpu.memory_space<semaphore_mem>>
      %dma_start3A_367 = tpu.memref_squeeze %dma_start3A_366 : memref<1x!tpu.dma_semaphore, #tpu.memory_space<semaphore_mem>> -> memref<!tpu.dma_semaphore, #tpu.memory_space<semaphore_mem>>
      tpu.enqueue_indirect_dma source(%dma_start3A_365 : memref<128x128xf32, #tpu.memory_space<vmem_shared>>) target(%dma_start3A_362 : memref<16x128xf32, #tpu.memory_space<vmem>>) offsets(%add3A_359 : vector<16xi32>) semaphore(%dma_start3A_367 : memref<!tpu.dma_semaphore, #tpu.memory_space<semaphore_mem>>)
    }
    %scan3A_15 = arith.constant 4 : i32
    %scan3A_16 = arith.constant 0 : i32
    %scan3A_17 = arith.constant 8 : i32
    %scan3A_18 = arith.constant 4 : i32
    %scan3A_19 = arith.addi %scan3A_17, %scan3A_18 : i32
    %scan3A_20 = arith.constant 1 : i32
    scf.for %scan3A_346 = %scan3A_17 to %scan3A_19 step %scan3A_20  : i32 {
      %mul3A_347 = arith.constant 16 : i32
      %mul3A_348 = arith.muli %scan3A_346, %mul3A_347 : i32
      %multiple_of3A = tpu.assume_multiple %mul3A_348, 16 : i32
      %get3A = arith.index_cast %multiple_of3A : i32 to index
      %get3A_349 = tpu.vector_load %arg6[%get3A] {strides = array<i32>} : memref<512xi32, #tpu.memory_space<vmem>>, vector<16xi32>,
      %get3A_350 = vector.shape_cast %get3A_349 : vector<16xi32> to vector<16xi32>
      %mul3A_351 = arith.constant 2 : i32
      %mul3A_352 = vector.broadcast %mul3A_351 : i32 to vector<16xi32>
      %mul3A_353 = arith.muli %get3A_350, %mul3A_352 : vector<16xi32>
      %get3A_354 = arith.index_cast %multiple_of3A : i32 to index
      %get3A_355 = tpu.vector_load %arg7[%get3A_354] {strides = array<i32>} : memref<512xi32, #tpu.memory_space<vmem>>, vector<16xi32>,
      %get3A_356 = vector.shape_cast %get3A_355 : vector<16xi32> to vector<16xi32>
      %add3A_357 = arith.addi %mul3A_353, %get3A_356 : vector<16xi32>
      %add3A_358 = vector.broadcast %mul3A_4 : i32 to vector<16xi32>
      %add3A_359 = arith.addi %add3A_357, %add3A_358 : vector<16xi32>
      %dma_start3A_360 = arith.constant 2 : i32
      %dma_start3A_361 = arith.constant 0 : i32
      %dma_start3A_362 = tpu.memref_slice %arg9[%multiple_of3A, %dma_start3A_361] : memref<512x128xf32, #tpu.memory_space<vmem>> -> memref<16x128xf32, #tpu.memory_space<vmem>>
      %dma_start3A_363 = arith.constant 0 : i32
      %dma_start3A_364 = arith.constant 0 : i32
      %dma_start3A_365 = tpu.memref_slice %arg8[%dma_start3A_363, %dma_start3A_364] : memref<128x128xf32, #tpu.memory_space<vmem_shared>> -> memref<128x128xf32, #tpu.memory_space<vmem_shared>>
      %dma_start3A_366 = tpu.memref_slice %arg10[%dma_start3A_360] : memref<8x!tpu.dma_semaphore, #tpu.memory_space<semaphore_mem>> -> memref<1x!tpu.dma_semaphore, #tpu.memory_space<semaphore_mem>>
      %dma_start3A_367 = tpu.memref_squeeze %dma_start3A_366 : memref<1x!tpu.dma_semaphore, #tpu.memory_space<semaphore_mem>> -> memref<!tpu.dma_semaphore, #tpu.memory_space<semaphore_mem>>
      tpu.enqueue_indirect_dma source(%dma_start3A_365 : memref<128x128xf32, #tpu.memory_space<vmem_shared>>) target(%dma_start3A_362 : memref<16x128xf32, #tpu.memory_space<vmem>>) offsets(%add3A_359 : vector<16xi32>) semaphore(%dma_start3A_367 : memref<!tpu.dma_semaphore, #tpu.memory_space<semaphore_mem>>)
    }
    %scan3A_21 = arith.constant 4 : i32
    %scan3A_22 = arith.constant 0 : i32
    %scan3A_23 = arith.constant 12 : i32
    %scan3A_24 = arith.constant 4 : i32
    %scan3A_25 = arith.addi %scan3A_23, %scan3A_24 : i32
    %scan3A_26 = arith.constant 1 : i32
    scf.for %scan3A_346 = %scan3A_23 to %scan3A_25 step %scan3A_26  : i32 {
      %mul3A_347 = arith.constant 16 : i32
      %mul3A_348 = arith.muli %scan3A_346, %mul3A_347 : i32
      %multiple_of3A = tpu.assume_multiple %mul3A_348, 16 : i32
      %get3A = arith.index_cast %multiple_of3A : i32 to index
      %get3A_349 = tpu.vector_load %arg6[%get3A] {strides = array<i32>} : memref<512xi32, #tpu.memory_space<vmem>>, vector<16xi32>,
      %get3A_350 = vector.shape_cast %get3A_349 : vector<16xi32> to vector<16xi32>
      %mul3A_351 = arith.constant 2 : i32
      %mul3A_352 = vector.broadcast %mul3A_351 : i32 to vector<16xi32>
      %mul3A_353 = arith.muli %get3A_350, %mul3A_352 : vector<16xi32>
      %get3A_354 = arith.index_cast %multiple_of3A : i32 to index
      %get3A_355 = tpu.vector_load %arg7[%get3A_354] {strides = array<i32>} : memref<512xi32, #tpu.memory_space<vmem>>, vector<16xi32>,
      %get3A_356 = vector.shape_cast %get3A_355 : vector<16xi32> to vector<16xi32>
      %add3A_357 = arith.addi %mul3A_353, %get3A_356 : vector<16xi32>
      %add3A_358 = vector.broadcast %mul3A_4 : i32 to vector<16xi32>
      %add3A_359 = arith.addi %add3A_357, %add3A_358 : vector<16xi32>
      %dma_start3A_360 = arith.constant 3 : i32
      %dma_start3A_361 = arith.constant 0 : i32
      %dma_start3A_362 = tpu.memref_slice %arg9[%multiple_of3A, %dma_start3A_361] : memref<512x128xf32, #tpu.memory_space<vmem>> -> memref<16x128xf32, #tpu.memory_space<vmem>>
      %dma_start3A_363 = arith.constant 0 : i32
      %dma_start3A_364 = arith.constant 0 : i32
      %dma_start3A_365 = tpu.memref_slice %arg8[%dma_start3A_363, %dma_start3A_364] : memref<128x128xf32, #tpu.memory_space<vmem_shared>> -> memref<128x128xf32, #tpu.memory_space<vmem_shared>>
      %dma_start3A_366 = tpu.memref_slice %arg10[%dma_start3A_360] : memref<8x!tpu.dma_semaphore, #tpu.memory_space<semaphore_mem>> -> memref<1x!tpu.dma_semaphore, #tpu.memory_space<semaphore_mem>>
      %dma_start3A_367 = tpu.memref_squeeze %dma_start3A_366 : memref<1x!tpu.dma_semaphore, #tpu.memory_space<semaphore_mem>> -> memref<!tpu.dma_semaphore, #tpu.memory_space<semaphore_mem>>
      tpu.enqueue_indirect_dma source(%dma_start3A_365 : memref<128x128xf32, #tpu.memory_space<vmem_shared>>) target(%dma_start3A_362 : memref<16x128xf32, #tpu.memory_space<vmem>>) offsets(%add3A_359 : vector<16xi32>) semaphore(%dma_start3A_367 : memref<!tpu.dma_semaphore, #tpu.memory_space<semaphore_mem>>)
    }
    %scan3A_27 = arith.constant 4 : i32
    %scan3A_28 = arith.constant 0 : i32
    %scan3A_29 = arith.constant 16 : i32
    %scan3A_30 = arith.constant 4 : i32
    %scan3A_31 = arith.addi %scan3A_29, %scan3A_30 : i32
    %scan3A_32 = arith.constant 1 : i32
    scf.for %scan3A_346 = %scan3A_29 to %scan3A_31 step %scan3A_32  : i32 {
      %mul3A_347 = arith.constant 16 : i32
      %mul3A_348 = arith.muli %scan3A_346, %mul3A_347 : i32
      %multiple_of3A = tpu.assume_multiple %mul3A_348, 16 : i32
      %get3A = arith.index_cast %multiple_of3A : i32 to index
      %get3A_349 = tpu.vector_load %arg6[%get3A] {strides = array<i32>} : memref<512xi32, #tpu.memory_space<vmem>>, vector<16xi32>,
      %get3A_350 = vector.shape_cast %get3A_349 : vector<16xi32> to vector<16xi32>
      %mul3A_351 = arith.constant 2 : i32
      %mul3A_352 = vector.broadcast %mul3A_351 : i32 to vector<16xi32>
      %mul3A_353 = arith.muli %get3A_350, %mul3A_352 : vector<16xi32>
      %get3A_354 = arith.index_cast %multiple_of3A : i32 to index
      %get3A_355 = tpu.vector_load %arg7[%get3A_354] {strides = array<i32>} : memref<512xi32, #tpu.memory_space<vmem>>, vector<16xi32>,
      %get3A_356 = vector.shape_cast %get3A_355 : vector<16xi32> to vector<16xi32>
      %add3A_357 = arith.addi %mul3A_353, %get3A_356 : vector<16xi32>
      %add3A_358 = vector.broadcast %mul3A_4 : i32 to vector<16xi32>
      %add3A_359 = arith.addi %add3A_357, %add3A_358 : vector<16xi32>
      %dma_start3A_360 = arith.constant 4 : i32
      %dma_start3A_361 = arith.constant 0 : i32
      %dma_start3A_362 = tpu.memref_slice %arg9[%multiple_of3A, %dma_start3A_361] : memref<512x128xf32, #tpu.memory_space<vmem>> -> memref<16x128xf32, #tpu.memory_space<vmem>>
      %dma_start3A_363 = arith.constant 0 : i32
      %dma_start3A_364 = arith.constant 0 : i32
      %dma_start3A_365 = tpu.memref_slice %arg8[%dma_start3A_363, %dma_start3A_364] : memref<128x128xf32, #tpu.memory_space<vmem_shared>> -> memref<128x128xf32, #tpu.memory_space<vmem_shared>>
      %dma_start3A_366 = tpu.memref_slice %arg10[%dma_start3A_360] : memref<8x!tpu.dma_semaphore, #tpu.memory_space<semaphore_mem>> -> memref<1x!tpu.dma_semaphore, #tpu.memory_space<semaphore_mem>>
      %dma_start3A_367 = tpu.memref_squeeze %dma_start3A_366 : memref<1x!tpu.dma_semaphore, #tpu.memory_space<semaphore_mem>> -> memref<!tpu.dma_semaphore, #tpu.memory_space<semaphore_mem>>
      tpu.enqueue_indirect_dma source(%dma_start3A_365 : memref<128x128xf32, #tpu.memory_space<vmem_shared>>) target(%dma_start3A_362 : memref<16x128xf32, #tpu.memory_space<vmem>>) offsets(%add3A_359 : vector<16xi32>) semaphore(%dma_start3A_367 : memref<!tpu.dma_semaphore, #tpu.memory_space<semaphore_mem>>)
    }
    %scan3A_33 = arith.constant 4 : i32
    %scan3A_34 = arith.constant 0 : i32
    %scan3A_35 = arith.constant 20 : i32
    %scan3A_36 = arith.constant 4 : i32
    %scan3A_37 = arith.addi %scan3A_35, %scan3A_36 : i32
    %scan3A_38 = arith.constant 1 : i32
    scf.for %scan3A_346 = %scan3A_35 to %scan3A_37 step %scan3A_38  : i32 {
      %mul3A_347 = arith.constant 16 : i32
      %mul3A_348 = arith.muli %scan3A_346, %mul3A_347 : i32
      %multiple_of3A = tpu.assume_multiple %mul3A_348, 16 : i32
      %get3A = arith.index_cast %multiple_of3A : i32 to index
      %get3A_349 = tpu.vector_load %arg6[%get3A] {strides = array<i32>} : memref<512xi32, #tpu.memory_space<vmem>>, vector<16xi32>,
      %get3A_350 = vector.shape_cast %get3A_349 : vector<16xi32> to vector<16xi32>
      %mul3A_351 = arith.constant 2 : i32
      %mul3A_352 = vector.broadcast %mul3A_351 : i32 to vector<16xi32>
      %mul3A_353 = arith.muli %get3A_350, %mul3A_352 : vector<16xi32>
      %get3A_354 = arith.index_cast %multiple_of3A : i32 to index
      %get3A_355 = tpu.vector_load %arg7[%get3A_354] {strides = array<i32>} : memref<512xi32, #tpu.memory_space<vmem>>, vector<16xi32>,
      %get3A_356 = vector.shape_cast %get3A_355 : vector<16xi32> to vector<16xi32>
      %add3A_357 = arith.addi %mul3A_353, %get3A_356 : vector<16xi32>
      %add3A_358 = vector.broadcast %mul3A_4 : i32 to vector<16xi32>
      %add3A_359 = arith.addi %add3A_357, %add3A_358 : vector<16xi32>
      %dma_start3A_360 = arith.constant 5 : i32
      %dma_start3A_361 = arith.constant 0 : i32
      %dma_start3A_362 = tpu.memref_slice %arg9[%multiple_of3A, %dma_start3A_361] : memref<512x128xf32, #tpu.memory_space<vmem>> -> memref<16x128xf32, #tpu.memory_space<vmem>>
      %dma_start3A_363 = arith.constant 0 : i32
      %dma_start3A_364 = arith.constant 0 : i32
      %dma_start3A_365 = tpu.memref_slice %arg8[%dma_start3A_363, %dma_start3A_364] : memref<128x128xf32, #tpu.memory_space<vmem_shared>> -> memref<128x128xf32, #tpu.memory_space<vmem_shared>>
      %dma_start3A_366 = tpu.memref_slice %arg10[%dma_start3A_360] : memref<8x!tpu.dma_semaphore, #tpu.memory_space<semaphore_mem>> -> memref<1x!tpu.dma_semaphore, #tpu.memory_space<semaphore_mem>>
      %dma_start3A_367 = tpu.memref_squeeze %dma_start3A_366 : memref<1x!tpu.dma_semaphore, #tpu.memory_space<semaphore_mem>> -> memref<!tpu.dma_semaphore, #tpu.memory_space<semaphore_mem>>
      tpu.enqueue_indirect_dma source(%dma_start3A_365 : memref<128x128xf32, #tpu.memory_space<vmem_shared>>) target(%dma_start3A_362 : memref<16x128xf32, #tpu.memory_space<vmem>>) offsets(%add3A_359 : vector<16xi32>) semaphore(%dma_start3A_367 : memref<!tpu.dma_semaphore, #tpu.memory_space<semaphore_mem>>)
    }
    %scan3A_39 = arith.constant 4 : i32
    %scan3A_40 = arith.constant 0 : i32
    %scan3A_41 = arith.constant 24 : i32
    %scan3A_42 = arith.constant 4 : i32
    %scan3A_43 = arith.addi %scan3A_41, %scan3A_42 : i32
    %scan3A_44 = arith.constant 1 : i32
    scf.for %scan3A_346 = %scan3A_41 to %scan3A_43 step %scan3A_44  : i32 {
      %mul3A_347 = arith.constant 16 : i32
      %mul3A_348 = arith.muli %scan3A_346, %mul3A_347 : i32
      %multiple_of3A = tpu.assume_multiple %mul3A_348, 16 : i32
      %get3A = arith.index_cast %multiple_of3A : i32 to index
      %get3A_349 = tpu.vector_load %arg6[%get3A] {strides = array<i32>} : memref<512xi32, #tpu.memory_space<vmem>>, vector<16xi32>,
      %get3A_350 = vector.shape_cast %get3A_349 : vector<16xi32> to vector<16xi32>
      %mul3A_351 = arith.constant 2 : i32
      %mul3A_352 = vector.broadcast %mul3A_351 : i32 to vector<16xi32>
      %mul3A_353 = arith.muli %get3A_350, %mul3A_352 : vector<16xi32>
      %get3A_354 = arith.index_cast %multiple_of3A : i32 to index
      %get3A_355 = tpu.vector_load %arg7[%get3A_354] {strides = array<i32>} : memref<512xi32, #tpu.memory_space<vmem>>, vector<16xi32>,
      %get3A_356 = vector.shape_cast %get3A_355 : vector<16xi32> to vector<16xi32>
      %add3A_357 = arith.addi %mul3A_353, %get3A_356 : vector<16xi32>
      %add3A_358 = vector.broadcast %mul3A_4 : i32 to vector<16xi32>
      %add3A_359 = arith.addi %add3A_357, %add3A_358 : vector<16xi32>
      %dma_start3A_360 = arith.constant 6 : i32
      %dma_start3A_361 = arith.constant 0 : i32
      %dma_start3A_362 = tpu.memref_slice %arg9[%multiple_of3A, %dma_start3A_361] : memref<512x128xf32, #tpu.memory_space<vmem>> -> memref<16x128xf32, #tpu.memory_space<vmem>>
      %dma_start3A_363 = arith.constant 0 : i32
      %dma_start3A_364 = arith.constant 0 : i32
      %dma_start3A_365 = tpu.memref_slice %arg8[%dma_start3A_363, %dma_start3A_364] : memref<128x128xf32, #tpu.memory_space<vmem_shared>> -> memref<128x128xf32, #tpu.memory_space<vmem_shared>>
      %dma_start3A_366 = tpu.memref_slice %arg10[%dma_start3A_360] : memref<8x!tpu.dma_semaphore, #tpu.memory_space<semaphore_mem>> -> memref<1x!tpu.dma_semaphore, #tpu.memory_space<semaphore_mem>>
      %dma_start3A_367 = tpu.memref_squeeze %dma_start3A_366 : memref<1x!tpu.dma_semaphore, #tpu.memory_space<semaphore_mem>> -> memref<!tpu.dma_semaphore, #tpu.memory_space<semaphore_mem>>
      tpu.enqueue_indirect_dma source(%dma_start3A_365 : memref<128x128xf32, #tpu.memory_space<vmem_shared>>) target(%dma_start3A_362 : memref<16x128xf32, #tpu.memory_space<vmem>>) offsets(%add3A_359 : vector<16xi32>) semaphore(%dma_start3A_367 : memref<!tpu.dma_semaphore, #tpu.memory_space<semaphore_mem>>)
    }
    %scan3A_45 = arith.constant 4 : i32
    %scan3A_46 = arith.constant 0 : i32
    %scan3A_47 = arith.constant 28 : i32
    %scan3A_48 = arith.constant 4 : i32
    %scan3A_49 = arith.addi %scan3A_47, %scan3A_48 : i32
    %scan3A_50 = arith.constant 1 : i32
    scf.for %scan3A_346 = %scan3A_47 to %scan3A_49 step %scan3A_50  : i32 {
      %mul3A_347 = arith.constant 16 : i32
      %mul3A_348 = arith.muli %scan3A_346, %mul3A_347 : i32
      %multiple_of3A = tpu.assume_multiple %mul3A_348, 16 : i32
      %get3A = arith.index_cast %multiple_of3A : i32 to index
      %get3A_349 = tpu.vector_load %arg6[%get3A] {strides = array<i32>} : memref<512xi32, #tpu.memory_space<vmem>>, vector<16xi32>,
      %get3A_350 = vector.shape_cast %get3A_349 : vector<16xi32> to vector<16xi32>
      %mul3A_351 = arith.constant 2 : i32
      %mul3A_352 = vector.broadcast %mul3A_351 : i32 to vector<16xi32>
      %mul3A_353 = arith.muli %get3A_350, %mul3A_352 : vector<16xi32>
      %get3A_354 = arith.index_cast %multiple_of3A : i32 to index
      %get3A_355 = tpu.vector_load %arg7[%get3A_354] {strides = array<i32>} : memref<512xi32, #tpu.memory_space<vmem>>, vector<16xi32>,
      %get3A_356 = vector.shape_cast %get3A_355 : vector<16xi32> to vector<16xi32>
      %add3A_357 = arith.addi %mul3A_353, %get3A_356 : vector<16xi32>
      %add3A_358 = vector.broadcast %mul3A_4 : i32 to vector<16xi32>
      %add3A_359 = arith.addi %add3A_357, %add3A_358 : vector<16xi32>
      %dma_start3A_360 = arith.constant 7 : i32
      %dma_start3A_361 = arith.constant 0 : i32
      %dma_start3A_362 = tpu.memref_slice %arg9[%multiple_of3A, %dma_start3A_361] : memref<512x128xf32, #tpu.memory_space<vmem>> -> memref<16x128xf32, #tpu.memory_space<vmem>>
      %dma_start3A_363 = arith.constant 0 : i32
      %dma_start3A_364 = arith.constant 0 : i32
      %dma_start3A_365 = tpu.memref_slice %arg8[%dma_start3A_363, %dma_start3A_364] : memref<128x128xf32, #tpu.memory_space<vmem_shared>> -> memref<128x128xf32, #tpu.memory_space<vmem_shared>>
      %dma_start3A_366 = tpu.memref_slice %arg10[%dma_start3A_360] : memref<8x!tpu.dma_semaphore, #tpu.memory_space<semaphore_mem>> -> memref<1x!tpu.dma_semaphore, #tpu.memory_space<semaphore_mem>>
      %dma_start3A_367 = tpu.memref_squeeze %dma_start3A_366 : memref<1x!tpu.dma_semaphore, #tpu.memory_space<semaphore_mem>> -> memref<!tpu.dma_semaphore, #tpu.memory_space<semaphore_mem>>
      tpu.enqueue_indirect_dma source(%dma_start3A_365 : memref<128x128xf32, #tpu.memory_space<vmem_shared>>) target(%dma_start3A_362 : memref<16x128xf32, #tpu.memory_space<vmem>>) offsets(%add3A_359 : vector<16xi32>) semaphore(%dma_start3A_367 : memref<!tpu.dma_semaphore, #tpu.memory_space<semaphore_mem>>)
    }
    %scan3A_51 = arith.constant 4 : i32
    %add3A_52 = arith.constant 0 : i32
    %add3A_53 = arith.addi %mul3A_2, %add3A_52 : i32
    %dma_wait3A = arith.constant 0 : i32
    %dma_wait3A_54 = arith.constant 0 : i32
    %dma_wait3A_55 = arith.constant 0 : i32
    %dma_wait3A_56 = tpu.memref_slice %arg9[%dma_wait3A_54, %dma_wait3A_55] : memref<512x128xf32, #tpu.memory_space<vmem>> -> memref<64x128xf32, #tpu.memory_space<vmem>>
    %dma_wait3A_57 = arith.constant 0 : i32
    %dma_wait3A_58 = tpu.memref_slice %arg5[%add3A_53, %dma_wait3A_57] : memref<16384x128xf32, #tpu.memory_space<hbm>> -> memref<64x128xf32, #tpu.memory_space<hbm>>
    %dma_wait3A_59 = tpu.memref_slice %arg10[%dma_wait3A] : memref<8x!tpu.dma_semaphore, #tpu.memory_space<semaphore_mem>> -> memref<1x!tpu.dma_semaphore, #tpu.memory_space<semaphore_mem>>
    %dma_wait3A_60 = tpu.memref_squeeze %dma_wait3A_59 : memref<1x!tpu.dma_semaphore, #tpu.memory_space<semaphore_mem>> -> memref<!tpu.dma_semaphore, #tpu.memory_space<semaphore_mem>>
    %dma_wait3A_61 = arith.constant 0 : i32
    %dma_wait3A_62 = arith.constant 0 : i32
    %dma_wait3A_63 = tpu.memref_slice %arg9[%dma_wait3A_61, %dma_wait3A_62] : memref<512x128xf32, #tpu.memory_space<vmem>> -> memref<64x128xf32, #tpu.memory_space<vmem>>
    %dma_wait3A_64 = arith.constant 0 : i32
    %dma_wait3A_65 = tpu.memref_slice %arg5[%add3A_53, %dma_wait3A_64] : memref<16384x128xf32, #tpu.memory_space<hbm>> -> memref<64x128xf32, #tpu.memory_space<hbm>>
    tpu.wait_dma2 semaphore(%dma_wait3A_60 : memref<!tpu.dma_semaphore, #tpu.memory_space<semaphore_mem>>) src(%dma_wait3A_65 : memref<64x128xf32, #tpu.memory_space<hbm>>) dst(%dma_wait3A_63 : memref<64x128xf32, #tpu.memory_space<vmem>>)
    %add3A_66 = arith.constant 0 : i32
    %add3A_67 = arith.addi %mul3A_2, %add3A_66 : i32
    %dma_start3A = arith.constant 0 : i32
    %dma_start3A_68 = arith.constant 0 : i32
    %dma_start3A_69 = tpu.memref_slice %arg9[%dma_start3A, %dma_start3A_68] : memref<512x128xf32, #tpu.memory_space<vmem>> -> memref<64x128xf32, #tpu.memory_space<vmem>>
    %dma_start3A_70 = arith.constant 0 : i32
    %dma_start3A_71 = tpu.memref_slice %arg5[%add3A_67, %dma_start3A_70] : memref<16384x128xf32, #tpu.memory_space<hbm>> -> memref<64x128xf32, #tpu.memory_space<hbm>>
    %dma_start3A_72 = arith.constant 0 : i32
    %dma_start3A_73 = tpu.memref_slice %arg5[%add3A_67, %dma_start3A_72] : memref<16384x128xf32, #tpu.memory_space<hbm>> -> memref<64x128xf32, #tpu.memory_space<hbm>>
    %dma_start3A_74 = arith.constant 0 : i32
    %dma_start3A_75 = arith.constant 0 : i32
    %dma_start3A_76 = tpu.memref_slice %arg9[%dma_start3A_74, %dma_start3A_75] : memref<512x128xf32, #tpu.memory_space<vmem>> -> memref<64x128xf32, #tpu.memory_space<vmem>>
    tpu.enqueue_dma source(%dma_start3A_76 : memref<64x128xf32, #tpu.memory_space<vmem>>) target(%dma_start3A_73 : memref<64x128xf32, #tpu.memory_space<hbm>>) target_semaphore(%arg11 : memref<!tpu.dma_semaphore, #tpu.memory_space<semaphore_mem>>)
    %add3A_77 = arith.constant 64 : i32
    %add3A_78 = arith.addi %mul3A_2, %add3A_77 : i32
    %dma_wait3A_79 = arith.constant 1 : i32
    %dma_wait3A_80 = arith.constant 64 : i32
    %dma_wait3A_81 = arith.constant 0 : i32
    %dma_wait3A_82 = tpu.memref_slice %arg9[%dma_wait3A_80, %dma_wait3A_81] : memref<512x128xf32, #tpu.memory_space<vmem>> -> memref<64x128xf32, #tpu.memory_space<vmem>>
    %dma_wait3A_83 = arith.constant 0 : i32
    %dma_wait3A_84 = tpu.memref_slice %arg5[%add3A_78, %dma_wait3A_83] : memref<16384x128xf32, #tpu.memory_space<hbm>> -> memref<64x128xf32, #tpu.memory_space<hbm>>
    %dma_wait3A_85 = tpu.memref_slice %arg10[%dma_wait3A_79] : memref<8x!tpu.dma_semaphore, #tpu.memory_space<semaphore_mem>> -> memref<1x!tpu.dma_semaphore, #tpu.memory_space<semaphore_mem>>
    %dma_wait3A_86 = tpu.memref_squeeze %dma_wait3A_85 : memref<1x!tpu.dma_semaphore, #tpu.memory_space<semaphore_mem>> -> memref<!tpu.dma_semaphore, #tpu.memory_space<semaphore_mem>>
    %dma_wait3A_87 = arith.constant 64 : i32
    %dma_wait3A_88 = arith.constant 0 : i32
    %dma_wait3A_89 = tpu.memref_slice %arg9[%dma_wait3A_87, %dma_wait3A_88] : memref<512x128xf32, #tpu.memory_space<vmem>> -> memref<64x128xf32, #tpu.memory_space<vmem>>
    %dma_wait3A_90 = arith.constant 0 : i32
    %dma_wait3A_91 = tpu.memref_slice %arg5[%add3A_78, %dma_wait3A_90] : memref<16384x128xf32, #tpu.memory_space<hbm>> -> memref<64x128xf32, #tpu.memory_space<hbm>>
    tpu.wait_dma2 semaphore(%dma_wait3A_86 : memref<!tpu.dma_semaphore, #tpu.memory_space<semaphore_mem>>) src(%dma_wait3A_91 : memref<64x128xf32, #tpu.memory_space<hbm>>) dst(%dma_wait3A_89 : memref<64x128xf32, #tpu.memory_space<vmem>>)
    %add3A_92 = arith.constant 64 : i32
    %add3A_93 = arith.addi %mul3A_2, %add3A_92 : i32
    %dma_start3A_94 = arith.constant 64 : i32
    %dma_start3A_95 = arith.constant 0 : i32
    %dma_start3A_96 = tpu.memref_slice %arg9[%dma_start3A_94, %dma_start3A_95] : memref<512x128xf32, #tpu.memory_space<vmem>> -> memref<64x128xf32, #tpu.memory_space<vmem>>
    %dma_start3A_97 = arith.constant 0 : i32
    %dma_start3A_98 = tpu.memref_slice %arg5[%add3A_93, %dma_start3A_97] : memref<16384x128xf32, #tpu.memory_space<hbm>> -> memref<64x128xf32, #tpu.memory_space<hbm>>
    %dma_start3A_99 = arith.constant 0 : i32
    %dma_start3A_100 = tpu.memref_slice %arg5[%add3A_93, %dma_start3A_99] : memref<16384x128xf32, #tpu.memory_space<hbm>> -> memref<64x128xf32, #tpu.memory_space<hbm>>
    %dma_start3A_101 = arith.constant 64 : i32
    %dma_start3A_102 = arith.constant 0 : i32
    %dma_start3A_103 = tpu.memref_slice %arg9[%dma_start3A_101, %dma_start3A_102] : memref<512x128xf32, #tpu.memory_space<vmem>> -> memref<64x128xf32, #tpu.memory_space<vmem>>
    tpu.enqueue_dma source(%dma_start3A_103 : memref<64x128xf32, #tpu.memory_space<vmem>>) target(%dma_start3A_100 : memref<64x128xf32, #tpu.memory_space<hbm>>) target_semaphore(%arg11 : memref<!tpu.dma_semaphore, #tpu.memory_space<semaphore_mem>>)
    %add3A_104 = arith.constant 128 : i32
    %add3A_105 = arith.addi %mul3A_2, %add3A_104 : i32
    %dma_wait3A_106 = arith.constant 2 : i32
    %dma_wait3A_107 = arith.constant 128 : i32
    %dma_wait3A_108 = arith.constant 0 : i32
    %dma_wait3A_109 = tpu.memref_slice %arg9[%dma_wait3A_107, %dma_wait3A_108] : memref<512x128xf32, #tpu.memory_space<vmem>> -> memref<64x128xf32, #tpu.memory_space<vmem>>
    %dma_wait3A_110 = arith.constant 0 : i32
    %dma_wait3A_111 = tpu.memref_slice %arg5[%add3A_105, %dma_wait3A_110] : memref<16384x128xf32, #tpu.memory_space<hbm>> -> memref<64x128xf32, #tpu.memory_space<hbm>>
    %dma_wait3A_112 = tpu.memref_slice %arg10[%dma_wait3A_106] : memref<8x!tpu.dma_semaphore, #tpu.memory_space<semaphore_mem>> -> memref<1x!tpu.dma_semaphore, #tpu.memory_space<semaphore_mem>>
    %dma_wait3A_113 = tpu.memref_squeeze %dma_wait3A_112 : memref<1x!tpu.dma_semaphore, #tpu.memory_space<semaphore_mem>> -> memref<!tpu.dma_semaphore, #tpu.memory_space<semaphore_mem>>
    %dma_wait3A_114 = arith.constant 128 : i32
    %dma_wait3A_115 = arith.constant 0 : i32
    %dma_wait3A_116 = tpu.memref_slice %arg9[%dma_wait3A_114, %dma_wait3A_115] : memref<512x128xf32, #tpu.memory_space<vmem>> -> memref<64x128xf32, #tpu.memory_space<vmem>>
    %dma_wait3A_117 = arith.constant 0 : i32
    %dma_wait3A_118 = tpu.memref_slice %arg5[%add3A_105, %dma_wait3A_117] : memref<16384x128xf32, #tpu.memory_space<hbm>> -> memref<64x128xf32, #tpu.memory_space<hbm>>
    tpu.wait_dma2 semaphore(%dma_wait3A_113 : memref<!tpu.dma_semaphore, #tpu.memory_space<semaphore_mem>>) src(%dma_wait3A_118 : memref<64x128xf32, #tpu.memory_space<hbm>>) dst(%dma_wait3A_116 : memref<64x128xf32, #tpu.memory_space<vmem>>)
    %add3A_119 = arith.constant 128 : i32
    %add3A_120 = arith.addi %mul3A_2, %add3A_119 : i32
    %dma_start3A_121 = arith.constant 128 : i32
    %dma_start3A_122 = arith.constant 0 : i32
    %dma_start3A_123 = tpu.memref_slice %arg9[%dma_start3A_121, %dma_start3A_122] : memref<512x128xf32, #tpu.memory_space<vmem>> -> memref<64x128xf32, #tpu.memory_space<vmem>>
    %dma_start3A_124 = arith.constant 0 : i32
    %dma_start3A_125 = tpu.memref_slice %arg5[%add3A_120, %dma_start3A_124] : memref<16384x128xf32, #tpu.memory_space<hbm>> -> memref<64x128xf32, #tpu.memory_space<hbm>>
    %dma_start3A_126 = arith.constant 0 : i32
    %dma_start3A_127 = tpu.memref_slice %arg5[%add3A_120, %dma_start3A_126] : memref<16384x128xf32, #tpu.memory_space<hbm>> -> memref<64x128xf32, #tpu.memory_space<hbm>>
    %dma_start3A_128 = arith.constant 128 : i32
    %dma_start3A_129 = arith.constant 0 : i32
    %dma_start3A_130 = tpu.memref_slice %arg9[%dma_start3A_128, %dma_start3A_129] : memref<512x128xf32, #tpu.memory_space<vmem>> -> memref<64x128xf32, #tpu.memory_space<vmem>>
    tpu.enqueue_dma source(%dma_start3A_130 : memref<64x128xf32, #tpu.memory_space<vmem>>) target(%dma_start3A_127 : memref<64x128xf32, #tpu.memory_space<hbm>>) target_semaphore(%arg11 : memref<!tpu.dma_semaphore, #tpu.memory_space<semaphore_mem>>)
    %add3A_131 = arith.constant 192 : i32
    %add3A_132 = arith.addi %mul3A_2, %add3A_131 : i32
    %dma_wait3A_133 = arith.constant 3 : i32
    %dma_wait3A_134 = arith.constant 192 : i32
    %dma_wait3A_135 = arith.constant 0 : i32
    %dma_wait3A_136 = tpu.memref_slice %arg9[%dma_wait3A_134, %dma_wait3A_135] : memref<512x128xf32, #tpu.memory_space<vmem>> -> memref<64x128xf32, #tpu.memory_space<vmem>>
    %dma_wait3A_137 = arith.constant 0 : i32
    %dma_wait3A_138 = tpu.memref_slice %arg5[%add3A_132, %dma_wait3A_137] : memref<16384x128xf32, #tpu.memory_space<hbm>> -> memref<64x128xf32, #tpu.memory_space<hbm>>
    %dma_wait3A_139 = tpu.memref_slice %arg10[%dma_wait3A_133] : memref<8x!tpu.dma_semaphore, #tpu.memory_space<semaphore_mem>> -> memref<1x!tpu.dma_semaphore, #tpu.memory_space<semaphore_mem>>
    %dma_wait3A_140 = tpu.memref_squeeze %dma_wait3A_139 : memref<1x!tpu.dma_semaphore, #tpu.memory_space<semaphore_mem>> -> memref<!tpu.dma_semaphore, #tpu.memory_space<semaphore_mem>>
    %dma_wait3A_141 = arith.constant 192 : i32
    %dma_wait3A_142 = arith.constant 0 : i32
    %dma_wait3A_143 = tpu.memref_slice %arg9[%dma_wait3A_141, %dma_wait3A_142] : memref<512x128xf32, #tpu.memory_space<vmem>> -> memref<64x128xf32, #tpu.memory_space<vmem>>
    %dma_wait3A_144 = arith.constant 0 : i32
    %dma_wait3A_145 = tpu.memref_slice %arg5[%add3A_132, %dma_wait3A_144] : memref<16384x128xf32, #tpu.memory_space<hbm>> -> memref<64x128xf32, #tpu.memory_space<hbm>>
    tpu.wait_dma2 semaphore(%dma_wait3A_140 : memref<!tpu.dma_semaphore, #tpu.memory_space<semaphore_mem>>) src(%dma_wait3A_145 : memref<64x128xf32, #tpu.memory_space<hbm>>) dst(%dma_wait3A_143 : memref<64x128xf32, #tpu.memory_space<vmem>>)
    %add3A_146 = arith.constant 192 : i32
    %add3A_147 = arith.addi %mul3A_2, %add3A_146 : i32
    %dma_start3A_148 = arith.constant 192 : i32
    %dma_start3A_149 = arith.constant 0 : i32
    %dma_start3A_150 = tpu.memref_slice %arg9[%dma_start3A_148, %dma_start3A_149] : memref<512x128xf32, #tpu.memory_space<vmem>> -> memref<64x128xf32, #tpu.memory_space<vmem>>
    %dma_start3A_151 = arith.constant 0 : i32
    %dma_start3A_152 = tpu.memref_slice %arg5[%add3A_147, %dma_start3A_151] : memref<16384x128xf32, #tpu.memory_space<hbm>> -> memref<64x128xf32, #tpu.memory_space<hbm>>
    %dma_start3A_153 = arith.constant 0 : i32
    %dma_start3A_154 = tpu.memref_slice %arg5[%add3A_147, %dma_start3A_153] : memref<16384x128xf32, #tpu.memory_space<hbm>> -> memref<64x128xf32, #tpu.memory_space<hbm>>
    %dma_start3A_155 = arith.constant 192 : i32
    %dma_start3A_156 = arith.constant 0 : i32
    %dma_start3A_157 = tpu.memref_slice %arg9[%dma_start3A_155, %dma_start3A_156] : memref<512x128xf32, #tpu.memory_space<vmem>> -> memref<64x128xf32, #tpu.memory_space<vmem>>
    tpu.enqueue_dma source(%dma_start3A_157 : memref<64x128xf32, #tpu.memory_space<vmem>>) target(%dma_start3A_154 : memref<64x128xf32, #tpu.memory_space<hbm>>) target_semaphore(%arg11 : memref<!tpu.dma_semaphore, #tpu.memory_space<semaphore_mem>>)
    %add3A_158 = arith.constant 256 : i32
    %add3A_159 = arith.addi %mul3A_2, %add3A_158 : i32
    %dma_wait3A_160 = arith.constant 4 : i32
    %dma_wait3A_161 = arith.constant 256 : i32
    %dma_wait3A_162 = arith.constant 0 : i32
    %dma_wait3A_163 = tpu.memref_slice %arg9[%dma_wait3A_161, %dma_wait3A_162] : memref<512x128xf32, #tpu.memory_space<vmem>> -> memref<64x128xf32, #tpu.memory_space<vmem>>
    %dma_wait3A_164 = arith.constant 0 : i32
    %dma_wait3A_165 = tpu.memref_slice %arg5[%add3A_159, %dma_wait3A_164] : memref<16384x128xf32, #tpu.memory_space<hbm>> -> memref<64x128xf32, #tpu.memory_space<hbm>>
    %dma_wait3A_166 = tpu.memref_slice %arg10[%dma_wait3A_160] : memref<8x!tpu.dma_semaphore, #tpu.memory_space<semaphore_mem>> -> memref<1x!tpu.dma_semaphore, #tpu.memory_space<semaphore_mem>>
    %dma_wait3A_167 = tpu.memref_squeeze %dma_wait3A_166 : memref<1x!tpu.dma_semaphore, #tpu.memory_space<semaphore_mem>> -> memref<!tpu.dma_semaphore, #tpu.memory_space<semaphore_mem>>
    %dma_wait3A_168 = arith.constant 256 : i32
    %dma_wait3A_169 = arith.constant 0 : i32
    %dma_wait3A_170 = tpu.memref_slice %arg9[%dma_wait3A_168, %dma_wait3A_169] : memref<512x128xf32, #tpu.memory_space<vmem>> -> memref<64x128xf32, #tpu.memory_space<vmem>>
    %dma_wait3A_171 = arith.constant 0 : i32
    %dma_wait3A_172 = tpu.memref_slice %arg5[%add3A_159, %dma_wait3A_171] : memref<16384x128xf32, #tpu.memory_space<hbm>> -> memref<64x128xf32, #tpu.memory_space<hbm>>
    tpu.wait_dma2 semaphore(%dma_wait3A_167 : memref<!tpu.dma_semaphore, #tpu.memory_space<semaphore_mem>>) src(%dma_wait3A_172 : memref<64x128xf32, #tpu.memory_space<hbm>>) dst(%dma_wait3A_170 : memref<64x128xf32, #tpu.memory_space<vmem>>)
    %add3A_173 = arith.constant 256 : i32
    %add3A_174 = arith.addi %mul3A_2, %add3A_173 : i32
    %dma_start3A_175 = arith.constant 256 : i32
    %dma_start3A_176 = arith.constant 0 : i32
    %dma_start3A_177 = tpu.memref_slice %arg9[%dma_start3A_175, %dma_start3A_176] : memref<512x128xf32, #tpu.memory_space<vmem>> -> memref<64x128xf32, #tpu.memory_space<vmem>>
    %dma_start3A_178 = arith.constant 0 : i32
    %dma_start3A_179 = tpu.memref_slice %arg5[%add3A_174, %dma_start3A_178] : memref<16384x128xf32, #tpu.memory_space<hbm>> -> memref<64x128xf32, #tpu.memory_space<hbm>>
    %dma_start3A_180 = arith.constant 0 : i32
    %dma_start3A_181 = tpu.memref_slice %arg5[%add3A_174, %dma_start3A_180] : memref<16384x128xf32, #tpu.memory_space<hbm>> -> memref<64x128xf32, #tpu.memory_space<hbm>>
    %dma_start3A_182 = arith.constant 256 : i32
    %dma_start3A_183 = arith.constant 0 : i32
    %dma_start3A_184 = tpu.memref_slice %arg9[%dma_start3A_182, %dma_start3A_183] : memref<512x128xf32, #tpu.memory_space<vmem>> -> memref<64x128xf32, #tpu.memory_space<vmem>>
    tpu.enqueue_dma source(%dma_start3A_184 : memref<64x128xf32, #tpu.memory_space<vmem>>) target(%dma_start3A_181 : memref<64x128xf32, #tpu.memory_space<hbm>>) target_semaphore(%arg11 : memref<!tpu.dma_semaphore, #tpu.memory_space<semaphore_mem>>)
    %add3A_185 = arith.constant 320 : i32
    %add3A_186 = arith.addi %mul3A_2, %add3A_185 : i32
    %dma_wait3A_187 = arith.constant 5 : i32
    %dma_wait3A_188 = arith.constant 320 : i32
    %dma_wait3A_189 = arith.constant 0 : i32
    %dma_wait3A_190 = tpu.memref_slice %arg9[%dma_wait3A_188, %dma_wait3A_189] : memref<512x128xf32, #tpu.memory_space<vmem>> -> memref<64x128xf32, #tpu.memory_space<vmem>>
    %dma_wait3A_191 = arith.constant 0 : i32
    %dma_wait3A_192 = tpu.memref_slice %arg5[%add3A_186, %dma_wait3A_191] : memref<16384x128xf32, #tpu.memory_space<hbm>> -> memref<64x128xf32, #tpu.memory_space<hbm>>
    %dma_wait3A_193 = tpu.memref_slice %arg10[%dma_wait3A_187] : memref<8x!tpu.dma_semaphore, #tpu.memory_space<semaphore_mem>> -> memref<1x!tpu.dma_semaphore, #tpu.memory_space<semaphore_mem>>
    %dma_wait3A_194 = tpu.memref_squeeze %dma_wait3A_193 : memref<1x!tpu.dma_semaphore, #tpu.memory_space<semaphore_mem>> -> memref<!tpu.dma_semaphore, #tpu.memory_space<semaphore_mem>>
    %dma_wait3A_195 = arith.constant 320 : i32
    %dma_wait3A_196 = arith.constant 0 : i32
    %dma_wait3A_197 = tpu.memref_slice %arg9[%dma_wait3A_195, %dma_wait3A_196] : memref<512x128xf32, #tpu.memory_space<vmem>> -> memref<64x128xf32, #tpu.memory_space<vmem>>
    %dma_wait3A_198 = arith.constant 0 : i32
    %dma_wait3A_199 = tpu.memref_slice %arg5[%add3A_186, %dma_wait3A_198] : memref<16384x128xf32, #tpu.memory_space<hbm>> -> memref<64x128xf32, #tpu.memory_space<hbm>>
    tpu.wait_dma2 semaphore(%dma_wait3A_194 : memref<!tpu.dma_semaphore, #tpu.memory_space<semaphore_mem>>) src(%dma_wait3A_199 : memref<64x128xf32, #tpu.memory_space<hbm>>) dst(%dma_wait3A_197 : memref<64x128xf32, #tpu.memory_space<vmem>>)
    %add3A_200 = arith.constant 320 : i32
    %add3A_201 = arith.addi %mul3A_2, %add3A_200 : i32
    %dma_start3A_202 = arith.constant 320 : i32
    %dma_start3A_203 = arith.constant 0 : i32
    %dma_start3A_204 = tpu.memref_slice %arg9[%dma_start3A_202, %dma_start3A_203] : memref<512x128xf32, #tpu.memory_space<vmem>> -> memref<64x128xf32, #tpu.memory_space<vmem>>
    %dma_start3A_205 = arith.constant 0 : i32
    %dma_start3A_206 = tpu.memref_slice %arg5[%add3A_201, %dma_start3A_205] : memref<16384x128xf32, #tpu.memory_space<hbm>> -> memref<64x128xf32, #tpu.memory_space<hbm>>
    %dma_start3A_207 = arith.constant 0 : i32
    %dma_start3A_208 = tpu.memref_slice %arg5[%add3A_201, %dma_start3A_207] : memref<16384x128xf32, #tpu.memory_space<hbm>> -> memref<64x128xf32, #tpu.memory_space<hbm>>
    %dma_start3A_209 = arith.constant 320 : i32
    %dma_start3A_210 = arith.constant 0 : i32
    %dma_start3A_211 = tpu.memref_slice %arg9[%dma_start3A_209, %dma_start3A_210] : memref<512x128xf32, #tpu.memory_space<vmem>> -> memref<64x128xf32, #tpu.memory_space<vmem>>
    tpu.enqueue_dma source(%dma_start3A_211 : memref<64x128xf32, #tpu.memory_space<vmem>>) target(%dma_start3A_208 : memref<64x128xf32, #tpu.memory_space<hbm>>) target_semaphore(%arg11 : memref<!tpu.dma_semaphore, #tpu.memory_space<semaphore_mem>>)
    %add3A_212 = arith.constant 384 : i32
    %add3A_213 = arith.addi %mul3A_2, %add3A_212 : i32
    %dma_wait3A_214 = arith.constant 6 : i32
    %dma_wait3A_215 = arith.constant 384 : i32
    %dma_wait3A_216 = arith.constant 0 : i32
    %dma_wait3A_217 = tpu.memref_slice %arg9[%dma_wait3A_215, %dma_wait3A_216] : memref<512x128xf32, #tpu.memory_space<vmem>> -> memref<64x128xf32, #tpu.memory_space<vmem>>
    %dma_wait3A_218 = arith.constant 0 : i32
    %dma_wait3A_219 = tpu.memref_slice %arg5[%add3A_213, %dma_wait3A_218] : memref<16384x128xf32, #tpu.memory_space<hbm>> -> memref<64x128xf32, #tpu.memory_space<hbm>>
    %dma_wait3A_220 = tpu.memref_slice %arg10[%dma_wait3A_214] : memref<8x!tpu.dma_semaphore, #tpu.memory_space<semaphore_mem>> -> memref<1x!tpu.dma_semaphore, #tpu.memory_space<semaphore_mem>>
    %dma_wait3A_221 = tpu.memref_squeeze %dma_wait3A_220 : memref<1x!tpu.dma_semaphore, #tpu.memory_space<semaphore_mem>> -> memref<!tpu.dma_semaphore, #tpu.memory_space<semaphore_mem>>
    %dma_wait3A_222 = arith.constant 384 : i32
    %dma_wait3A_223 = arith.constant 0 : i32
    %dma_wait3A_224 = tpu.memref_slice %arg9[%dma_wait3A_222, %dma_wait3A_223] : memref<512x128xf32, #tpu.memory_space<vmem>> -> memref<64x128xf32, #tpu.memory_space<vmem>>
    %dma_wait3A_225 = arith.constant 0 : i32
    %dma_wait3A_226 = tpu.memref_slice %arg5[%add3A_213, %dma_wait3A_225] : memref<16384x128xf32, #tpu.memory_space<hbm>> -> memref<64x128xf32, #tpu.memory_space<hbm>>
    tpu.wait_dma2 semaphore(%dma_wait3A_221 : memref<!tpu.dma_semaphore, #tpu.memory_space<semaphore_mem>>) src(%dma_wait3A_226 : memref<64x128xf32, #tpu.memory_space<hbm>>) dst(%dma_wait3A_224 : memref<64x128xf32, #tpu.memory_space<vmem>>)
    %add3A_227 = arith.constant 384 : i32
    %add3A_228 = arith.addi %mul3A_2, %add3A_227 : i32
    %dma_start3A_229 = arith.constant 384 : i32
    %dma_start3A_230 = arith.constant 0 : i32
    %dma_start3A_231 = tpu.memref_slice %arg9[%dma_start3A_229, %dma_start3A_230] : memref<512x128xf32, #tpu.memory_space<vmem>> -> memref<64x128xf32, #tpu.memory_space<vmem>>
    %dma_start3A_232 = arith.constant 0 : i32
    %dma_start3A_233 = tpu.memref_slice %arg5[%add3A_228, %dma_start3A_232] : memref<16384x128xf32, #tpu.memory_space<hbm>> -> memref<64x128xf32, #tpu.memory_space<hbm>>
    %dma_start3A_234 = arith.constant 0 : i32
    %dma_start3A_235 = tpu.memref_slice %arg5[%add3A_228, %dma_start3A_234] : memref<16384x128xf32, #tpu.memory_space<hbm>> -> memref<64x128xf32, #tpu.memory_space<hbm>>
    %dma_start3A_236 = arith.constant 384 : i32
    %dma_start3A_237 = arith.constant 0 : i32
    %dma_start3A_238 = tpu.memref_slice %arg9[%dma_start3A_236, %dma_start3A_237] : memref<512x128xf32, #tpu.memory_space<vmem>> -> memref<64x128xf32, #tpu.memory_space<vmem>>
    tpu.enqueue_dma source(%dma_start3A_238 : memref<64x128xf32, #tpu.memory_space<vmem>>) target(%dma_start3A_235 : memref<64x128xf32, #tpu.memory_space<hbm>>) target_semaphore(%arg11 : memref<!tpu.dma_semaphore, #tpu.memory_space<semaphore_mem>>)
    %add3A_239 = arith.constant 448 : i32
    %add3A_240 = arith.addi %mul3A_2, %add3A_239 : i32
    %dma_wait3A_241 = arith.constant 7 : i32
    %dma_wait3A_242 = arith.constant 448 : i32
    %dma_wait3A_243 = arith.constant 0 : i32
    %dma_wait3A_244 = tpu.memref_slice %arg9[%dma_wait3A_242, %dma_wait3A_243] : memref<512x128xf32, #tpu.memory_space<vmem>> -> memref<64x128xf32, #tpu.memory_space<vmem>>
    %dma_wait3A_245 = arith.constant 0 : i32
    %dma_wait3A_246 = tpu.memref_slice %arg5[%add3A_240, %dma_wait3A_245] : memref<16384x128xf32, #tpu.memory_space<hbm>> -> memref<64x128xf32, #tpu.memory_space<hbm>>
    %dma_wait3A_247 = tpu.memref_slice %arg10[%dma_wait3A_241] : memref<8x!tpu.dma_semaphore, #tpu.memory_space<semaphore_mem>> -> memref<1x!tpu.dma_semaphore, #tpu.memory_space<semaphore_mem>>
    %dma_wait3A_248 = tpu.memref_squeeze %dma_wait3A_247 : memref<1x!tpu.dma_semaphore, #tpu.memory_space<semaphore_mem>> -> memref<!tpu.dma_semaphore, #tpu.memory_space<semaphore_mem>>
    %dma_wait3A_249 = arith.constant 448 : i32
    %dma_wait3A_250 = arith.constant 0 : i32
    %dma_wait3A_251 = tpu.memref_slice %arg9[%dma_wait3A_249, %dma_wait3A_250] : memref<512x128xf32, #tpu.memory_space<vmem>> -> memref<64x128xf32, #tpu.memory_space<vmem>>
    %dma_wait3A_252 = arith.constant 0 : i32
    %dma_wait3A_253 = tpu.memref_slice %arg5[%add3A_240, %dma_wait3A_252] : memref<16384x128xf32, #tpu.memory_space<hbm>> -> memref<64x128xf32, #tpu.memory_space<hbm>>
    tpu.wait_dma2 semaphore(%dma_wait3A_248 : memref<!tpu.dma_semaphore, #tpu.memory_space<semaphore_mem>>) src(%dma_wait3A_253 : memref<64x128xf32, #tpu.memory_space<hbm>>) dst(%dma_wait3A_251 : memref<64x128xf32, #tpu.memory_space<vmem>>)
    %add3A_254 = arith.constant 448 : i32
    %add3A_255 = arith.addi %mul3A_2, %add3A_254 : i32
    %dma_start3A_256 = arith.constant 448 : i32
    %dma_start3A_257 = arith.constant 0 : i32
    %dma_start3A_258 = tpu.memref_slice %arg9[%dma_start3A_256, %dma_start3A_257] : memref<512x128xf32, #tpu.memory_space<vmem>> -> memref<64x128xf32, #tpu.memory_space<vmem>>
    %dma_start3A_259 = arith.constant 0 : i32
    %dma_start3A_260 = tpu.memref_slice %arg5[%add3A_255, %dma_start3A_259] : memref<16384x128xf32, #tpu.memory_space<hbm>> -> memref<64x128xf32, #tpu.memory_space<hbm>>
    %dma_start3A_261 = arith.constant 0 : i32
    %dma_start3A_262 = tpu.memref_slice %arg5[%add3A_255, %dma_start3A_261] : memref<16384x128xf32, #tpu.memory_space<hbm>> -> memref<64x128xf32, #tpu.memory_space<hbm>>
    %dma_start3A_263 = arith.constant 448 : i32
    %dma_start3A_264 = arith.constant 0 : i32
    %dma_start3A_265 = tpu.memref_slice %arg9[%dma_start3A_263, %dma_start3A_264] : memref<512x128xf32, #tpu.memory_space<vmem>> -> memref<64x128xf32, #tpu.memory_space<vmem>>
    tpu.enqueue_dma source(%dma_start3A_265 : memref<64x128xf32, #tpu.memory_space<vmem>>) target(%dma_start3A_262 : memref<64x128xf32, #tpu.memory_space<hbm>>) target_semaphore(%arg11 : memref<!tpu.dma_semaphore, #tpu.memory_space<semaphore_mem>>)
    %dma_wait3A_266 = arith.constant 0 : i32
    %dma_wait3A_267 = arith.constant 0 : i32
    %dma_wait3A_268 = tpu.memref_slice %arg9[%dma_wait3A_266, %dma_wait3A_267] : memref<512x128xf32, #tpu.memory_space<vmem>> -> memref<64x128xf32, #tpu.memory_space<vmem>>
    %dma_wait3A_269 = arith.constant 0 : i32
    %dma_wait3A_270 = tpu.memref_slice %arg5[%add3A_67, %dma_wait3A_269] : memref<16384x128xf32, #tpu.memory_space<hbm>> -> memref<64x128xf32, #tpu.memory_space<hbm>>
    %dma_wait3A_271 = arith.constant 0 : i32
    %dma_wait3A_272 = tpu.memref_slice %arg5[%add3A_67, %dma_wait3A_271] : memref<16384x128xf32, #tpu.memory_space<hbm>> -> memref<64x128xf32, #tpu.memory_space<hbm>>
    %dma_wait3A_273 = arith.constant 0 : i32
    %dma_wait3A_274 = arith.constant 0 : i32
    %dma_wait3A_275 = tpu.memref_slice %arg9[%dma_wait3A_273, %dma_wait3A_274] : memref<512x128xf32, #tpu.memory_space<vmem>> -> memref<64x128xf32, #tpu.memory_space<vmem>>
    tpu.wait_dma2 semaphore(%arg11 : memref<!tpu.dma_semaphore, #tpu.memory_space<semaphore_mem>>) src(%dma_wait3A_275 : memref<64x128xf32, #tpu.memory_space<vmem>>) dst(%dma_wait3A_272 : memref<64x128xf32, #tpu.memory_space<hbm>>)
    %dma_wait3A_276 = arith.constant 64 : i32
    %dma_wait3A_277 = arith.constant 0 : i32
    %dma_wait3A_278 = tpu.memref_slice %arg9[%dma_wait3A_276, %dma_wait3A_277] : memref<512x128xf32, #tpu.memory_space<vmem>> -> memref<64x128xf32, #tpu.memory_space<vmem>>
    %dma_wait3A_279 = arith.constant 0 : i32
    %dma_wait3A_280 = tpu.memref_slice %arg5[%add3A_93, %dma_wait3A_279] : memref<16384x128xf32, #tpu.memory_space<hbm>> -> memref<64x128xf32, #tpu.memory_space<hbm>>
    %dma_wait3A_281 = arith.constant 0 : i32
    %dma_wait3A_282 = tpu.memref_slice %arg5[%add3A_93, %dma_wait3A_281] : memref<16384x128xf32, #tpu.memory_space<hbm>> -> memref<64x128xf32, #tpu.memory_space<hbm>>
    %dma_wait3A_283 = arith.constant 64 : i32
    %dma_wait3A_284 = arith.constant 0 : i32
    %dma_wait3A_285 = tpu.memref_slice %arg9[%dma_wait3A_283, %dma_wait3A_284] : memref<512x128xf32, #tpu.memory_space<vmem>> -> memref<64x128xf32, #tpu.memory_space<vmem>>
    tpu.wait_dma2 semaphore(%arg11 : memref<!tpu.dma_semaphore, #tpu.memory_space<semaphore_mem>>) src(%dma_wait3A_285 : memref<64x128xf32, #tpu.memory_space<vmem>>) dst(%dma_wait3A_282 : memref<64x128xf32, #tpu.memory_space<hbm>>)
    %dma_wait3A_286 = arith.constant 128 : i32
    %dma_wait3A_287 = arith.constant 0 : i32
    %dma_wait3A_288 = tpu.memref_slice %arg9[%dma_wait3A_286, %dma_wait3A_287] : memref<512x128xf32, #tpu.memory_space<vmem>> -> memref<64x128xf32, #tpu.memory_space<vmem>>
    %dma_wait3A_289 = arith.constant 0 : i32
    %dma_wait3A_290 = tpu.memref_slice %arg5[%add3A_120, %dma_wait3A_289] : memref<16384x128xf32, #tpu.memory_space<hbm>> -> memref<64x128xf32, #tpu.memory_space<hbm>>
    %dma_wait3A_291 = arith.constant 0 : i32
    %dma_wait3A_292 = tpu.memref_slice %arg5[%add3A_120, %dma_wait3A_291] : memref<16384x128xf32, #tpu.memory_space<hbm>> -> memref<64x128xf32, #tpu.memory_space<hbm>>
    %dma_wait3A_293 = arith.constant 128 : i32
    %dma_wait3A_294 = arith.constant 0 : i32
    %dma_wait3A_295 = tpu.memref_slice %arg9[%dma_wait3A_293, %dma_wait3A_294] : memref<512x128xf32, #tpu.memory_space<vmem>> -> memref<64x128xf32, #tpu.memory_space<vmem>>
    tpu.wait_dma2 semaphore(%arg11 : memref<!tpu.dma_semaphore, #tpu.memory_space<semaphore_mem>>) src(%dma_wait3A_295 : memref<64x128xf32, #tpu.memory_space<vmem>>) dst(%dma_wait3A_292 : memref<64x128xf32, #tpu.memory_space<hbm>>)
    %dma_wait3A_296 = arith.constant 192 : i32
    %dma_wait3A_297 = arith.constant 0 : i32
    %dma_wait3A_298 = tpu.memref_slice %arg9[%dma_wait3A_296, %dma_wait3A_297] : memref<512x128xf32, #tpu.memory_space<vmem>> -> memref<64x128xf32, #tpu.memory_space<vmem>>
    %dma_wait3A_299 = arith.constant 0 : i32
    %dma_wait3A_300 = tpu.memref_slice %arg5[%add3A_147, %dma_wait3A_299] : memref<16384x128xf32, #tpu.memory_space<hbm>> -> memref<64x128xf32, #tpu.memory_space<hbm>>
    %dma_wait3A_301 = arith.constant 0 : i32
    %dma_wait3A_302 = tpu.memref_slice %arg5[%add3A_147, %dma_wait3A_301] : memref<16384x128xf32, #tpu.memory_space<hbm>> -> memref<64x128xf32, #tpu.memory_space<hbm>>
    %dma_wait3A_303 = arith.constant 192 : i32
    %dma_wait3A_304 = arith.constant 0 : i32
    %dma_wait3A_305 = tpu.memref_slice %arg9[%dma_wait3A_303, %dma_wait3A_304] : memref<512x128xf32, #tpu.memory_space<vmem>> -> memref<64x128xf32, #tpu.memory_space<vmem>>
    tpu.wait_dma2 semaphore(%arg11 : memref<!tpu.dma_semaphore, #tpu.memory_space<semaphore_mem>>) src(%dma_wait3A_305 : memref<64x128xf32, #tpu.memory_space<vmem>>) dst(%dma_wait3A_302 : memref<64x128xf32, #tpu.memory_space<hbm>>)
    %dma_wait3A_306 = arith.constant 256 : i32
    %dma_wait3A_307 = arith.constant 0 : i32
    %dma_wait3A_308 = tpu.memref_slice %arg9[%dma_wait3A_306, %dma_wait3A_307] : memref<512x128xf32, #tpu.memory_space<vmem>> -> memref<64x128xf32, #tpu.memory_space<vmem>>
    %dma_wait3A_309 = arith.constant 0 : i32
    %dma_wait3A_310 = tpu.memref_slice %arg5[%add3A_174, %dma_wait3A_309] : memref<16384x128xf32, #tpu.memory_space<hbm>> -> memref<64x128xf32, #tpu.memory_space<hbm>>
    %dma_wait3A_311 = arith.constant 0 : i32
    %dma_wait3A_312 = tpu.memref_slice %arg5[%add3A_174, %dma_wait3A_311] : memref<16384x128xf32, #tpu.memory_space<hbm>> -> memref<64x128xf32, #tpu.memory_space<hbm>>
    %dma_wait3A_313 = arith.constant 256 : i32
    %dma_wait3A_314 = arith.constant 0 : i32
    %dma_wait3A_315 = tpu.memref_slice %arg9[%dma_wait3A_313, %dma_wait3A_314] : memref<512x128xf32, #tpu.memory_space<vmem>> -> memref<64x128xf32, #tpu.memory_space<vmem>>
    tpu.wait_dma2 semaphore(%arg11 : memref<!tpu.dma_semaphore, #tpu.memory_space<semaphore_mem>>) src(%dma_wait3A_315 : memref<64x128xf32, #tpu.memory_space<vmem>>) dst(%dma_wait3A_312 : memref<64x128xf32, #tpu.memory_space<hbm>>)
    %dma_wait3A_316 = arith.constant 320 : i32
    %dma_wait3A_317 = arith.constant 0 : i32
    %dma_wait3A_318 = tpu.memref_slice %arg9[%dma_wait3A_316, %dma_wait3A_317] : memref<512x128xf32, #tpu.memory_space<vmem>> -> memref<64x128xf32, #tpu.memory_space<vmem>>
    %dma_wait3A_319 = arith.constant 0 : i32
    %dma_wait3A_320 = tpu.memref_slice %arg5[%add3A_201, %dma_wait3A_319] : memref<16384x128xf32, #tpu.memory_space<hbm>> -> memref<64x128xf32, #tpu.memory_space<hbm>>
    %dma_wait3A_321 = arith.constant 0 : i32
    %dma_wait3A_322 = tpu.memref_slice %arg5[%add3A_201, %dma_wait3A_321] : memref<16384x128xf32, #tpu.memory_space<hbm>> -> memref<64x128xf32, #tpu.memory_space<hbm>>
    %dma_wait3A_323 = arith.constant 320 : i32
    %dma_wait3A_324 = arith.constant 0 : i32
    %dma_wait3A_325 = tpu.memref_slice %arg9[%dma_wait3A_323, %dma_wait3A_324] : memref<512x128xf32, #tpu.memory_space<vmem>> -> memref<64x128xf32, #tpu.memory_space<vmem>>
    tpu.wait_dma2 semaphore(%arg11 : memref<!tpu.dma_semaphore, #tpu.memory_space<semaphore_mem>>) src(%dma_wait3A_325 : memref<64x128xf32, #tpu.memory_space<vmem>>) dst(%dma_wait3A_322 : memref<64x128xf32, #tpu.memory_space<hbm>>)
    %dma_wait3A_326 = arith.constant 384 : i32
    %dma_wait3A_327 = arith.constant 0 : i32
    %dma_wait3A_328 = tpu.memref_slice %arg9[%dma_wait3A_326, %dma_wait3A_327] : memref<512x128xf32, #tpu.memory_space<vmem>> -> memref<64x128xf32, #tpu.memory_space<vmem>>
    %dma_wait3A_329 = arith.constant 0 : i32
    %dma_wait3A_330 = tpu.memref_slice %arg5[%add3A_228, %dma_wait3A_329] : memref<16384x128xf32, #tpu.memory_space<hbm>> -> memref<64x128xf32, #tpu.memory_space<hbm>>
    %dma_wait3A_331 = arith.constant 0 : i32
    %dma_wait3A_332 = tpu.memref_slice %arg5[%add3A_228, %dma_wait3A_331] : memref<16384x128xf32, #tpu.memory_space<hbm>> -> memref<64x128xf32, #tpu.memory_space<hbm>>
    %dma_wait3A_333 = arith.constant 384 : i32
    %dma_wait3A_334 = arith.constant 0 : i32
    %dma_wait3A_335 = tpu.memref_slice %arg9[%dma_wait3A_333, %dma_wait3A_334] : memref<512x128xf32, #tpu.memory_space<vmem>> -> memref<64x128xf32, #tpu.memory_space<vmem>>
    tpu.wait_dma2 semaphore(%arg11 : memref<!tpu.dma_semaphore, #tpu.memory_space<semaphore_mem>>) src(%dma_wait3A_335 : memref<64x128xf32, #tpu.memory_space<vmem>>) dst(%dma_wait3A_332 : memref<64x128xf32, #tpu.memory_space<hbm>>)
    %dma_wait3A_336 = arith.constant 448 : i32
    %dma_wait3A_337 = arith.constant 0 : i32
    %dma_wait3A_338 = tpu.memref_slice %arg9[%dma_wait3A_336, %dma_wait3A_337] : memref<512x128xf32, #tpu.memory_space<vmem>> -> memref<64x128xf32, #tpu.memory_space<vmem>>
    %dma_wait3A_339 = arith.constant 0 : i32
    %dma_wait3A_340 = tpu.memref_slice %arg5[%add3A_255, %dma_wait3A_339] : memref<16384x128xf32, #tpu.memory_space<hbm>> -> memref<64x128xf32, #tpu.memory_space<hbm>>
    %dma_wait3A_341 = arith.constant 0 : i32
    %dma_wait3A_342 = tpu.memref_slice %arg5[%add3A_255, %dma_wait3A_341] : memref<16384x128xf32, #tpu.memory_space<hbm>> -> memref<64x128xf32, #tpu.memory_space<hbm>>
    %dma_wait3A_343 = arith.constant 448 : i32
    %dma_wait3A_344 = arith.constant 0 : i32
    %dma_wait3A_345 = tpu.memref_slice %arg9[%dma_wait3A_343, %dma_wait3A_344] : memref<512x128xf32, #tpu.memory_space<vmem>> -> memref<64x128xf32, #tpu.memory_space<vmem>>
    tpu.wait_dma2 semaphore(%arg11 : memref<!tpu.dma_semaphore, #tpu.memory_space<semaphore_mem>>) src(%dma_wait3A_345 : memref<64x128xf32, #tpu.memory_space<vmem>>) dst(%dma_wait3A_342 : memref<64x128xf32, #tpu.memory_space<hbm>>)
    return
  }
}

</mosaic_0001>

<sc_bundles>
// kernel: kernel.3.cloned.1.call-start
scs
__scs_entry_jumppad:
0x0: {  	(pc) =	sbr.rel $0x88, $3  }
0x1: {  	(tag) =	ssettag $0x0;
	lr =	simm.s32 $0x1  }
0x2: {  	[smem:$0x3F9E] =	sst lr;
	_ =	strace $0xD0000000  }
0x3: {  	_ = 	snop  }
0x4: {  	_ = 	snop  }
0x5: {  	_ = 	snop  }
0x6: {  	_ = 	snop  }
0x7: {  	_ = 	snop  }
__scs_overlays_trampoline_lowered:
0x8: {  	[smem:$0x3FAD] =	sst s0  }
0x9: {  	[smem:$0x3FAE] =	sst s1  }
0xa: {  	[smem:$0x3FAF] =	sst s2  }
0xb: {  	[smem:$0x3FB0] =	sst s3  }
0xc: {  	[smem:$0x3FB1] =	sst s4  }
0xd: {  	[smem:$0x3FB2] =	sst s5  }
0xe: {  	[smem:$0x3FB3] =	sst s6  }
0xf: {  	[smem:$0x3FB4] =	sst s7  }
0x10: {  	[smem:$0x3FB5] =	sst s8  }
0x11: {  	[smem:$0x3FB6] =	sst s9;
	s0 =	simm.s32 @!p0 $0x0  }
0x12: {  	s1 =	sld [smem:$0x3F9C];
	s0 =	simm.s32 @p0 $0x1  }
0x13: {  	[smem:$0x3FB7] =	sst s0;
	s0 =	simm.s32 @!p1 $0x0  }
0x14: {  	s2 =	sld [smem:$0x3F9B];
	s0 =	simm.s32 @p1 $0x1  }
0x15: {  	[smem:$0x3FB8] =	sst s0;
	s0 =	simm.s32 @!p2 $0x0  }
0x16: {  	s3 =	sld [smem:$0x3FDB];
	s0 =	simm.s32 @p2 $0x1  }
0x17: {  	s4 =	simm.s32 $0x1BF5;
	[smem:$0x3FBA] =	sst s0  }
0x18: {  	s0 =	sld [smem:$0x3F9D];
	_ =	swait.ge [sflag:s4], $0x0  }
0x19: {  	s7 =	sld [smem:$0x3F9E]  }
0x1a: {  	s8 =	sadd.s32 $0xFFFFE003, lr  }
0x1b: {  	s9 =	sadd.s32 $0xFFFFFEF7, lr;
	s5 =	simm.s32 $0xFFFFFFFF;
	p2 =	slt.u32 s8, $0xFFFFF086  }
0x1c: {  	p1 =	slt.u32 s9, $0xF7A;
	s5 =	simm.s32 @!p2 $0x0  }
0x1d: {  	s5 =	simm.s32 @p1 $0x1;
	p0 =	seq.s32 s7, s2  }
0x1e: {  	s7 =	smul.u32 @!p0 $0xF7A, s2;
	p2 =	seq.s32 @!p0 s5, $0x0  }
0x1f: {  	s9 =	smul.u32 $0xF7A, s1;
	s8 =	simm.s32 @!p0 $0x1BF5;
	p2 =	por !p2, p0  }
0x20: {  	[sflag:s8] =	ssyncset.s32 @!p0 $0xFFFFF086;
	s6 =	sadd.s32 @!p0 s3, s7;
	s7 =	simm.s32 @!p0 $0x108  }
0x21: {  	s3 =	sadd.s32 s3, s9;
	s6 =	sadd.s32 @!p0 $0x88, s6;
	s7 =	simm.s32 @p2 $0x1082  }
0x22: {  	[simem:s7], [sflag:s8] =	dma.local @!p0 [hbm:s6], $0xF7A  }
0x23: {  	s9 =	sor.u32 $0xD0000000, s2;
	s6 =	simm.s32 $0x108;
	_ =	swait.ge @!p0 [sflag:s8], $0x0  }
0x24: {  	s3 =	sadd.s32 $0x88, s3;
	s6 =	simm.s32 @!p1 $0x1082;
	[sflag:s4] =	ssyncset.s32 $0xFFFFF086  }
0x25: {  	[simem:s6], [sflag:s4] =	dma.local [hbm:s3], $0xF7A  }
0x26: {  	[smem:$0x3F9E] =	sst s1;
	(tag) =	ssettag s2;
	_ =	strace s9  }
0x27: {  	s1 =	sld [smem:$0x3FAE]  }
0x28: {  	s2 =	sld [smem:$0x3FAF]  }
0x29: {  	s4 =	sld [smem:$0x3FB1]  }
0x2a: {  	p0 =	seq.s32 s5, $0x0;
	s5 =	sld [smem:$0x3FB2]  }
0x2b: {  	s6 =	sld [smem:$0x3FB3]  }
0x2c: {  	s7 =	sld [smem:$0x3FB4]  }
0x2d: {  	s3 =	simm.s32 $0x108;
	s8 =	sld [smem:$0x3FB5]  }
0x2e: {  	s3 =	simm.s32 @!p0 $0x1082;
	s9 =	sld [smem:$0x3FB6]  }
0x2f: {  	lr =	sadd.s32 s0, s3;
	s0 =	sld [smem:$0x3FAD]  }
0x30: {  	s3 =	sld [smem:$0x3FB0]  }
0x31: {  	[smem:$0x3FB9] =	sst s10  }
0x32: {  	s10 =	sld [smem:$0x3FB7];
	_ =	sdelay $0x3  }
0x33: {  	p0 =	seq.s32 s10, $0x1;
	s10 =	sld [smem:$0x3FB9];
	_ =	sdelay $0x3  }
0x34: {  	[smem:$0x3FB9] =	sst s10  }
0x35: {  	s10 =	sld [smem:$0x3FB8];
	_ =	sdelay $0x3  }
0x36: {  	p1 =	seq.s32 s10, $0x1;
	s10 =	sld [smem:$0x3FB9];
	_ =	sdelay $0x3  }
0x37: {  	[smem:$0x3FB9] =	sst s10  }
0x38: {  	s10 =	sld [smem:$0x3FBA]  }
0x39: {  	_ = 	snop;
	(pc) =	sbr.ind lr, $3  }
0x3a: {  	_ = 	snop  }
0x3b: {  	_ = 	snop  }
0x3c: {  	p2 =	seq.s32 s10, $0x1;
	s10 =	sld [smem:$0x3FB9]  }
0x3d: {  	_ =	shalt  }
0x3e: {  	_ =	shalt  }
0x3f: {  	_ =	shalt  }
0x40: {  	_ =	shalt  }
0x41: {  	_ =	shalt  }
0x42: {  	_ =	shalt  }
0x43: {  	_ =	shalt  }
0x44: {  	_ =	shalt  }
0x45: {  	_ =	shalt  }
0x46: {  	_ =	shalt  }
0x47: {  	_ =	shalt  }
0x48: {  	_ =	shalt  }
0x49: {  	_ =	shalt  }
0x4a: {  	_ =	shalt  }
0x4b: {  	_ =	shalt  }
0x4c: {  	_ =	shalt  }
0x4d: {  	_ =	shalt  }
0x4e: {  	_ =	shalt  }
0x4f: {  	_ =	shalt  }
0x50: {  	_ =	shalt  }
0x51: {  	_ =	shalt  }
0x52: {  	_ =	shalt  }
0x53: {  	_ =	shalt  }
0x54: {  	_ =	shalt  }
0x55: {  	_ =	shalt  }
0x56: {  	_ =	shalt  }
0x57: {  	_ =	shalt  }
0x58: {  	_ =	shalt  }
0x59: {  	_ =	shalt  }
0x5a: {  	_ =	shalt  }
0x5b: {  	_ =	shalt  }
0x5c: {  	_ =	shalt  }
0x5d: {  	_ =	shalt  }
0x5e: {  	_ =	shalt  }
0x5f: {  	_ =	shalt  }
0x60: {  	_ =	shalt  }
0x61: {  	_ =	shalt  }
0x62: {  	_ =	shalt  }
0x63: {  	_ =	shalt  }
0x64: {  	_ =	shalt  }
0x65: {  	_ =	shalt  }
0x66: {  	_ =	shalt  }
0x67: {  	_ =	shalt  }
0x68: {  	_ =	shalt  }
0x69: {  	_ =	shalt  }
0x6a: {  	_ =	shalt  }
0x6b: {  	_ =	shalt  }
0x6c: {  	_ =	shalt  }
0x6d: {  	_ =	shalt  }
0x6e: {  	_ =	shalt  }
0x6f: {  	_ =	shalt  }
0x70: {  	_ =	shalt  }
0x71: {  	_ =	shalt  }
0x72: {  	_ =	shalt  }
0x73: {  	_ =	shalt  }
0x74: {  	_ =	shalt  }
0x75: {  	_ =	shalt  }
0x76: {  	_ =	shalt  }
0x77: {  	_ =	shalt  }
0x78: {  	_ =	shalt  }
0x79: {  	_ =	shalt  }
0x7a: {  	_ =	shalt  }
0x7b: {  	_ =	shalt  }
0x7c: {  	_ =	shalt  }
0x7d: {  	_ =	shalt  }
0x7e: {  	_ =	shalt  }
0x7f: {  	_ =	shalt  }
0x80: {  	_ =	shalt  }
0x81: {  	_ =	shalt  }
0x82: {  	_ =	shalt  }
0x83: {  	_ =	shalt  }
0x84: {  	_ =	shalt  }
0x85: {  	_ =	shalt  }
0x86: {  	_ =	shalt  }
0x87: {  	_ =	shalt  }
.Lfunc_end0:
.L_simem_size_0:
called_computation_lowered:
.L_overlay_start_0:
0x88: {  	s2 =	sld [smem:$0x3FD9]  }
0x89: {  	s3 =	sld [smem:$0x3FFE];
	_ =	sdelay $0x1  }
0x8a: {  	s1 =	srdreg.scid  }
0x8b: {  	s0 =	sand.u32 $0x1, s1  }
0x8c: {  	s18 =	sshll.u32 s0, $0xA;
	s2 =	sadd.s32 s3, s2  }
0x8d: {  	s2 =	sadd.s32 s2, s18  }
0x8e: {  	[smem:$0x3FC5] =	sst s2  }
0x8f: {  	_ = 	snop  }
0x90: {  	s2 =	sld [smem:$0x3FC9]  }
0x91: {  	s19 =	sld [smem:$0x3FC8]  }
0x92: {  	s4 =	sld [smem:$0x3FC7]  }
0x93: {  	s5 =	sld [smem:$0x3FD0];
	(tm) =	ssettm $0x1  }
0x94: {  	s6 =	sld [smem:$0x3FFB];
	_ =	sdelay $0x3  }
0x95: {  	_ =	strace s6  }
0x96: {  	s6 =	sld [smem:$0x3FFC];
	_ =	sdelay $0x3  }
0x97: {  	_ =	strace s6  }
0x98: {  	s6 =	sld [smem:$0x3FFD];
	_ =	sdelay $0x3  }
0x99: {  	_ =	strace s6  }
0x9a: {  	_ =	strace $0x8FFFFFFF  }
0x9b: {  	s20 =	sld [smem:$0x3FDB];
	_ =	sdelay $0x1  }
0x9c: {  	s7 =	simm.s32 $_scs_section_size  }
0x9d: {  	s8 =	simm.s32 $_size__tile_overlayer_lowered;
	s9 =	simm.s32 $_tile_overlayer_lowered  }
0x9e: {  	s23 =	simm.s32 $0x1BFF;
	s22 =	sshll.u32 s9, $0x1;
	s6 =	sadd.s32 s7, s20  }
0x9f: {  	s10 =	simm.s32 $0x0;
	s21 =	sshll.u32 s8, $0x1;
	s8 =	sadd.s32 s22, s6  }
0xa0: {  	[timem:s10], [sflag:s23] =	dma.local [hbm:s8], s21  }
0xa1: {  	_ =	swait.ge [sflag:s23], s21  }
0xa2: {  	s7 =	ssub.s32 $0x0, s21;
	[sflag:s23] =	ssyncset.done $0x0  }
0xa3: {  	[sflag:s23] =	ssyncadd.s32 s7;
	_ =	sdelay $0x1  }
0xa4: {  	s24 =	simm.s32 $0x1B8B  }
0xa5: {  	_ =	swait.ge [sflag:s24], $0x1  }
0xa6: {  	[sflag:s24] =	ssyncset.done $0x0  }
0xa7: {  	s25 =	simm.s32 $0x1B8E;
	[sflag:s24] =	ssyncadd.s32 $0xFFFFFFFF  }
0xa8: {  	s26 =	simm.s32 $execute0_lowered;
	[smem:$0x3FD2] =	sst s25  }
0xa9: {  	s7 =	sshll.u32 s26, $0x1;
	_ =	strace $0x80000046;
	[dreg:$0x1] =	wrdreg $0xFFFFFFFF  }
0xaa: {  	s28 =	simm.s32 $_size_execute0_lowered;
	s6 =	sadd.s32 s6, s7;
	[dreg:$0x0] =	wrdreg $0x0  }
0xab: {  	s7 =	sshll.u32 s28, $0x1;
	[dreg:$0x2] =	wrdreg s6  }
0xac: {  	[dreg:$0x3] =	wrdreg s7  }
0xad: {  	[dreg:$0x4] =	wrdreg $0xC0  }
0xae: {  	_ =	task [dreg:s10], $0x5FFFF  }
0xaf: {  	[dreg:$0x1] =	wrdreg $0xFFFFFFFF  }
0xb0: {  	[dreg:$0x0] =	wrdreg $0x60  }
0xb1: {  	[dreg:$0x2] =	wrdreg s2  }
0xb2: {  	[dreg:$0x3] =	wrdreg s19  }
0xb3: {  	[dreg:$0x4] =	wrdreg s4  }
0xb4: {  	[dreg:$0x5] =	wrdreg s5  }
0xb5: {  	[dreg:$0x6] =	wrdreg $0x4000  }
0xb6: {  	[dreg:$0x7] =	wrdreg $0x9  }
0xb7: {  	_ =	task.clear_ibuf [dreg:s10], $0x8FFFF;
	_ =	strace $0x90000046  }
0xb8: {  	s29 =	simm.s32 $0x9;
	_ =	strace $0x80000048  }
0xb9: {  	_ =	swait.ge [sflag:s29], $0x1  }
0xba: {  	[sflag:s29] =	ssyncadd.s32 $0xFFFFFFFF  }
0xbb: {  	_ =	strace $0x90000048  }
0xbc: {  	_ =	sfence  }
0xbd: {  	s30 =	sld [smem:$0x0];
	_ =	sdelay $0x2  }
0xbe: {  	s31 =	sshll.u32 s1, $0xD;
	s1 =	sshrl.u32 s1, $0x2  }
0xbf: {  	s3 =	sand.u32 $0x4000, s31;
	s1 =	sadd.s32 s1, s30  }
0xc0: {  	s0 =	sor.u32 s3, s0;
	s1 =	sshll.u32 s1, $0x11  }
0xc1: {  	s0 =	sor.u32 s1, s0  }
0xc2: {  	s0 =	sadd.s32 $0x8F2B, s0  }
0xc3: {  	[sflag:s0] =	ssyncadd.remote.s32 $0x1  }
0xc4: {  	_ =	sfence.sel $0xFFFF  }
0xc5: {  	[dreg:$0x0] =	wrdreg $0xFFFFFFFF;
	(pc) =	sbr.abs _section_cstart, $3  }
0xc6: {  	[dreg:$0x1] =	wrdreg $0xFFFFFFFF  }
0xc7: {  	_ =	task.clear_ibuf [dreg:s10], $0x2FFFF;
	_ =	strace $0x9FFFFFFF  }
0xc8: {  	(tm) =	ssettm $0x7FFFFFFF  }
0xc9: {  	_ =	shalt  }
tec
execute0_lowered:
.L_overlay_start_1:
0x0: {  	(tag) =	ssettag $0x1  }
0x1: {  	s0 =	rddreg [dreg:$0x0]  }
0x2: {  	s4 =	rddreg [dreg:$0x1]  }
0x3: {  	s1 =	rddreg [dreg:$0x2]  }
0x4: {  	s5 =	rddreg [dreg:$0x3]  }
0x5: {  	s2 =	rddreg [dreg:$0x4];
	s3 =	srdreg.scid  }
0x6: {  	s11 =	simm.s32 $0x1800;
	s12 =	simm.s32 $0x2000;
	s13 =	simm.s32 $0x3000  }
0x7: {  	[dreg:$0x6] =	wrdreg s1;
	s6 =	sand.u32 $0x1, s3;
	s3 =	simm.s32 $0x0  }
0x8: {  	s14 =	simm.s32 $0x3800;
	s16 =	simm.s32 $0x4000;
	[smem:$0x7FF] =	sst s3  }
0x9: {  	s17 =	simm.s32 $0x5000;
	_ =	strace $0x80000047;
	[dreg:$0x14] =	wrdreg s11  }
0xa: {  	s18 =	simm.s32 $0x5800;
	s28 =	simm.s32 $0x5;
	[dreg:$0x15] =	wrdreg s12  }
0xb: {  	s29 =	simm.s32 $0x6;
	s1 =	stileid.u32;
	[dreg:$0x16] =	wrdreg s13  }
0xc: {  	s31 =	simm.s32 $0x8;
	s7 =	sshll.u32 s1, $0xA;
	[dreg:$0x17] =	wrdreg s14  }
0xd: {  	s8 =	sshll.u32 s6, $0x9;
	s9 =	sshll.u32 s1, $0x6;
	[dreg:$0x18] =	wrdreg s16  }
0xe: {  	s15 =	ssub.s32 $0x2, s6;
	s30 =	sshll.u32 s1, $0x3;
	[dreg:$0x19] =	wrdreg s17  }
0xf: {  	s8 =	sor.u32 s8, s7;
	s9 =	sor.u32 $0x1C0A, s9;
	[dreg:$0x1a] =	wrdreg s18  }
0x10: {  	s10 =	sshrl.u32 s8, $0x3;
	[dreg:$0x7] =	wrdreg s9;
	s9 =	simm.s32 $0x200  }
0x11: {  	s26 =	sadd.s32 s7, s2;
	s0 =	sadd.s32 s0, s10;
	[dreg:$0x12] =	wrdreg s9  }
0x12: {  	s8 =	sshll.u32 s8, $0x4;
	s19 =	sadd.s32 s4, s10;
	[dreg:$0x8] =	wrdreg s0  }
0x13: {  	s4 =	sadd.s32 s5, s8;
	s8 =	sshrl.u32 s26, $0x3;
	[dreg:$0x9] =	wrdreg s19  }
0x14: {  	s6 =	sshrl.u32 s15, $0x1;
	s10 =	simm.s32 $0x1000;
	[dreg:$0x11] =	wrdreg s8  }
0x15: {  	s11 =	simm.s32 $0x8800;
	s26 =	simm.s32 $0xB000;
	[dreg:$0x13] =	wrdreg s10  }
0x16: {  	s12 =	simm.s32 $0xA800;
	s20 =	sadd.s32 $0x400, s4;
	[smem:$0x7FD] =	sst s26  }
0x17: {  	s16 =	simm.s32 $0xD000;
	s21 =	sadd.s32 $0x800, s4;
	[dreg:$0xa] =	wrdreg s20  }
0x18: {  	s17 =	simm.s32 $0xD800;
	s22 =	sadd.s32 $0xC00, s4;
	[dreg:$0xb] =	wrdreg s21  }
0x19: {  	s18 =	simm.s32 $0xE000;
	s23 =	sadd.s32 $0x1000, s4;
	[dreg:$0xc] =	wrdreg s22  }
0x1a: {  	v0 =	vmov s30;
	s30 =	simm.s32 $0x7;
	s24 =	sadd.s32 $0x1400, s4;
	[dreg:$0xd] =	wrdreg s23  }
0x1b: {  	s5 =	ssub.s32 s15, s6;
	s25 =	sadd.s32 $0x1800, s4;
	[dreg:$0xe] =	wrdreg s24  }
0x1c: {  	s6 =	simm.s32 $0xA;
	s7 =	sadd.s32 $0x1C00, s4;
	[dreg:$0xf] =	wrdreg s25  }
0x1d: {  	s9 =	simm.s32 $0x4800;
	s19 =	simm.s32 $0x6000;
	[dreg:$0x10] =	wrdreg s7  }
0x1e: {  	s15 =	simm.s32 $0xC800;
	[dreg:$0x1b] =	wrdreg s19;
	s20 =	simm.s32 $0x7000  }
0x1f: {  	s5 =	smax.u32 s5, $0x1;
	s21 =	simm.s32 $0x7800;
	[dreg:$0x1c] =	wrdreg s20  }
0x20: {  	s8 =	simm.s32 $0x2800;
	s22 =	simm.s32 $0x8000;
	[dreg:$0x1d] =	wrdreg s21  }
0x21: {  	s10 =	simm.s32 $0x6800;
	s23 =	simm.s32 $0x9000;
	[dreg:$0x1e] =	wrdreg s22  }
0x22: {  	s26 =	simm.s32 $0x4;
	s24 =	simm.s32 $0x9800;
	[dreg:$0x1f] =	wrdreg s23  }
0x23: {  	s0 =	simm.s32 $0x9;
	s25 =	simm.s32 $0xA000;
	[smem:$0x7FB] =	sst s24  }
0x24: {  	s7 =	simm.s32 $0x800;
	s19 =	simm.s32 $0xE800;
	[smem:$0x7FC] =	sst s25  }
0x25: {  	s20 =	simm.s32 $0xF000;
	s21 =	simm.s32 $0xF800;
	s22 =	simm.s32 $0x10000  }
0x26: {  	vm0 =	vmmov $0xffff;
	s23 =	simm.s32 $0x1;
	s24 =	simm.s32 $0x2;
	s25 =	simm.s32 $0x3  }
.LBB2_1:
0x27: {  	s1 =	rddreg [dreg:$0x6]  }
0x28: {  	s13 =	rddreg [dreg:$0x7]  }
0x29: {  	s14 =	rddreg [dreg:$0x11]  }
0x2a: {  	[spmem:s14], [sflag:s13] =	dma.local [hbm:s1], $0x80  }
0x2b: {  	_ =	swait.ge [sflag:s6], $0x80  }
0x2c: {  	[sflag:s6] =	ssyncset.done $0x0  }
0x2d: {  	s14 =	rddreg [dreg:$0x8];
	[sflag:s6] =	ssyncadd.s32 $0xFFFFFF80  }
0x2e: {  	[tilespmem:s3], [sflag:$0xA] =	stream.linear.gather [hbm4b:s14+s3], $0x200, $0x38;
	[tilespmem:$0x10800] =	vst v63  }
0x2f: {  	_ =	swait.ge [sflag:s6], $0x200  }
0x30: {  	s13 =	rddreg [dreg:$0x9];
	[sflag:s6] =	ssyncset.done $0x0  }
0x31: {  	s14 =	rddreg [dreg:$0x12];
	[sflag:s6] =	ssyncadd.s32 $0xFFFFFE00  }
0x32: {  	[tilespmem:s14], [sflag:$0xA] =	stream.linear.gather [hbm4b:s13+s3], $0x200, $0x38;
	[tilespmem:$0x10800] =	vst v63  }
0x33: {  	_ =	swait.ge [sflag:s6], $0x200  }
0x34: {  	[sflag:s6] =	ssyncset.done $0x0  }
0x35: {  	[sflag:s6] =	ssyncadd.s32 $0xFFFFFE00  }
0x36: {  	v1 =	vld [tilespmem:$0x0]  }
0x37: {  	v2 =	vld [tilespmem:$0x200];
	_ =	sdelay $0x4  }
0x38: {  	v1 =	vshll.u32 v1, $0x1;
	v2 =	vadd.s32 v0, v2  }
0x39: {  	v1 =	vadd.s32 v1, v2;
	_ =	sdelay $0x4  }
0x3a: {  	[tilespmem:s7], [sflag:$0x1] =	stream.indirect_vreg.gather [spmem:s2], $0x80, v1, vm0, $0xb8;
	[tilespmem:$0x10800] =	vst v63  }
0x3b: {  	v1 =	vld [tilespmem:$0x10]  }
0x3c: {  	v2 =	vld [tilespmem:$0x210];
	_ =	sdelay $0x4  }
0x3d: {  	v1 =	vshll.u32 v1, $0x1;
	v2 =	vadd.s32 v0, v2  }
0x3e: {  	v1 =	vadd.s32 v1, v2;
	_ =	sdelay $0x3  }
0x3f: {  	s14 =	rddreg [dreg:$0x13]  }
0x40: {  	[tilespmem:s14], [sflag:$0x1] =	stream.indirect_vreg.gather [spmem:s2], $0x80, v1, vm0, $0xb8;
	[tilespmem:$0x10800] =	vst v63  }
0x41: {  	v1 =	vld [tilespmem:$0x20]  }
0x42: {  	v2 =	vld [tilespmem:$0x220];
	_ =	sdelay $0x4  }
0x43: {  	v1 =	vshll.u32 v1, $0x1;
	v2 =	vadd.s32 v0, v2  }
0x44: {  	v1 =	vadd.s32 v1, v2;
	_ =	sdelay $0x3  }
0x45: {  	s13 =	rddreg [dreg:$0x14]  }
0x46: {  	[tilespmem:s13], [sflag:$0x1] =	stream.indirect_vreg.gather [spmem:s2], $0x80, v1, vm0, $0xb8;
	[tilespmem:$0x10800] =	vst v63  }
0x47: {  	v1 =	vld [tilespmem:$0x30]  }
0x48: {  	v2 =	vld [tilespmem:$0x230];
	_ =	sdelay $0x4  }
0x49: {  	v1 =	vshll.u32 v1, $0x1;
	v2 =	vadd.s32 v0, v2  }
0x4a: {  	v1 =	vadd.s32 v1, v2;
	_ =	sdelay $0x3  }
0x4b: {  	s14 =	rddreg [dreg:$0x15]  }
0x4c: {  	[tilespmem:s14], [sflag:$0x1] =	stream.indirect_vreg.gather [spmem:s2], $0x80, v1, vm0, $0xb8;
	[tilespmem:$0x10800] =	vst v63  }
0x4d: {  	v1 =	vld [tilespmem:$0x40]  }
0x4e: {  	v2 =	vld [tilespmem:$0x240];
	_ =	sdelay $0x4  }
0x4f: {  	v1 =	vshll.u32 v1, $0x1;
	v2 =	vadd.s32 v0, v2  }
0x50: {  	v1 =	vadd.s32 v1, v2;
	_ =	sdelay $0x4  }
0x51: {  	[tilespmem:s8], [sflag:$0x2] =	stream.indirect_vreg.gather [spmem:s2], $0x80, v1, vm0, $0xb8;
	[tilespmem:$0x10800] =	vst v63  }
0x52: {  	v1 =	vld [tilespmem:$0x50]  }
0x53: {  	v2 =	vld [tilespmem:$0x250];
	_ =	sdelay $0x4  }
0x54: {  	v1 =	vshll.u32 v1, $0x1;
	v2 =	vadd.s32 v0, v2  }
0x55: {  	v1 =	vadd.s32 v1, v2;
	_ =	sdelay $0x3  }
0x56: {  	s13 =	rddreg [dreg:$0x16]  }
0x57: {  	[tilespmem:s13], [sflag:$0x2] =	stream.indirect_vreg.gather [spmem:s2], $0x80, v1, vm0, $0xb8;
	[tilespmem:$0x10800] =	vst v63  }
0x58: {  	v1 =	vld [tilespmem:$0x60]  }
0x59: {  	v2 =	vld [tilespmem:$0x260];
	_ =	sdelay $0x4  }
0x5a: {  	v1 =	vshll.u32 v1, $0x1;
	v2 =	vadd.s32 v0, v2  }
0x5b: {  	v1 =	vadd.s32 v1, v2;
	_ =	sdelay $0x3  }
0x5c: {  	s14 =	rddreg [dreg:$0x17]  }
0x5d: {  	[tilespmem:s14], [sflag:$0x2] =	stream.indirect_vreg.gather [spmem:s2], $0x80, v1, vm0, $0xb8;
	[tilespmem:$0x10800] =	vst v63  }
0x5e: {  	v1 =	vld [tilespmem:$0x70]  }
0x5f: {  	v2 =	vld [tilespmem:$0x270];
	_ =	sdelay $0x4  }
0x60: {  	v1 =	vshll.u32 v1, $0x1;
	v2 =	vadd.s32 v0, v2  }
0x61: {  	v1 =	vadd.s32 v1, v2;
	_ =	sdelay $0x3  }
0x62: {  	s13 =	rddreg [dreg:$0x18]  }
0x63: {  	[tilespmem:s13], [sflag:$0x2] =	stream.indirect_vreg.gather [spmem:s2], $0x80, v1, vm0, $0xb8;
	[tilespmem:$0x10800] =	vst v63  }
0x64: {  	v1 =	vld [tilespmem:$0x80]  }
0x65: {  	v2 =	vld [tilespmem:$0x280];
	_ =	sdelay $0x4  }
0x66: {  	v1 =	vshll.u32 v1, $0x1;
	v2 =	vadd.s32 v0, v2  }
0x67: {  	v1 =	vadd.s32 v1, v2;
	_ =	sdelay $0x4  }
0x68: {  	[tilespmem:s9], [sflag:$0x3] =	stream.indirect_vreg.gather [spmem:s2], $0x80, v1, vm0, $0xb8;
	[tilespmem:$0x10800] =	vst v63  }
0x69: {  	v1 =	vld [tilespmem:$0x90]  }
0x6a: {  	v2 =	vld [tilespmem:$0x290];
	_ =	sdelay $0x4  }
0x6b: {  	v1 =	vshll.u32 v1, $0x1;
	v2 =	vadd.s32 v0, v2  }
0x6c: {  	v1 =	vadd.s32 v1, v2;
	_ =	sdelay $0x3  }
0x6d: {  	s14 =	rddreg [dreg:$0x19]  }
0x6e: {  	[tilespmem:s14], [sflag:$0x3] =	stream.indirect_vreg.gather [spmem:s2], $0x80, v1, vm0, $0xb8;
	[tilespmem:$0x10800] =	vst v63  }
0x6f: {  	v1 =	vld [tilespmem:$0xA0]  }
0x70: {  	v2 =	vld [tilespmem:$0x2A0];
	_ =	sdelay $0x4  }
0x71: {  	v1 =	vshll.u32 v1, $0x1;
	v2 =	vadd.s32 v0, v2  }
0x72: {  	v1 =	vadd.s32 v1, v2;
	_ =	sdelay $0x3  }
0x73: {  	s13 =	rddreg [dreg:$0x1a]  }
0x74: {  	[tilespmem:s13], [sflag:$0x3] =	stream.indirect_vreg.gather [spmem:s2], $0x80, v1, vm0, $0xb8;
	[tilespmem:$0x10800] =	vst v63  }
0x75: {  	v1 =	vld [tilespmem:$0xB0]  }
0x76: {  	v2 =	vld [tilespmem:$0x2B0];
	_ =	sdelay $0x4  }
0x77: {  	v1 =	vshll.u32 v1, $0x1;
	v2 =	vadd.s32 v0, v2  }
0x78: {  	v1 =	vadd.s32 v1, v2;
	_ =	sdelay $0x3  }
0x79: {  	s14 =	rddreg [dreg:$0x1b]  }
0x7a: {  	[tilespmem:s14], [sflag:$0x3] =	stream.indirect_vreg.gather [spmem:s2], $0x80, v1, vm0, $0xb8;
	[tilespmem:$0x10800] =	vst v63  }
0x7b: {  	v1 =	vld [tilespmem:$0xC0]  }
0x7c: {  	v2 =	vld [tilespmem:$0x2C0];
	_ =	sdelay $0x4  }
0x7d: {  	v1 =	vshll.u32 v1, $0x1;
	v2 =	vadd.s32 v0, v2  }
0x7e: {  	v1 =	vadd.s32 v1, v2;
	_ =	sdelay $0x4  }
0x7f: {  	[tilespmem:s10], [sflag:$0x4] =	stream.indirect_vreg.gather [spmem:s2], $0x80, v1, vm0, $0xb8;
	[tilespmem:$0x10800] =	vst v63  }
0x80: {  	v1 =	vld [tilespmem:$0xD0]  }
0x81: {  	v2 =	vld [tilespmem:$0x2D0];
	_ =	sdelay $0x4  }
0x82: {  	v1 =	vshll.u32 v1, $0x1;
	v2 =	vadd.s32 v0, v2  }
0x83: {  	v1 =	vadd.s32 v1, v2;
	_ =	sdelay $0x3  }
0x84: {  	s13 =	rddreg [dreg:$0x1c]  }
0x85: {  	[tilespmem:s13], [sflag:$0x4] =	stream.indirect_vreg.gather [spmem:s2], $0x80, v1, vm0, $0xb8;
	[tilespmem:$0x10800] =	vst v63  }
0x86: {  	v1 =	vld [tilespmem:$0xE0]  }
0x87: {  	v2 =	vld [tilespmem:$0x2E0];
	_ =	sdelay $0x4  }
0x88: {  	v1 =	vshll.u32 v1, $0x1;
	v2 =	vadd.s32 v0, v2  }
0x89: {  	v1 =	vadd.s32 v1, v2;
	_ =	sdelay $0x3  }
0x8a: {  	s14 =	rddreg [dreg:$0x1d]  }
0x8b: {  	[tilespmem:s14], [sflag:$0x4] =	stream.indirect_vreg.gather [spmem:s2], $0x80, v1, vm0, $0xb8;
	[tilespmem:$0x10800] =	vst v63  }
0x8c: {  	v1 =	vld [tilespmem:$0xF0]  }
0x8d: {  	v2 =	vld [tilespmem:$0x2F0];
	_ =	sdelay $0x4  }
0x8e: {  	v1 =	vshll.u32 v1, $0x1;
	v2 =	vadd.s32 v0, v2  }
0x8f: {  	v1 =	vadd.s32 v1, v2;
	_ =	sdelay $0x3  }
0x90: {  	s13 =	rddreg [dreg:$0x1e]  }
0x91: {  	[tilespmem:s13], [sflag:$0x4] =	stream.indirect_vreg.gather [spmem:s2], $0x80, v1, vm0, $0xb8;
	[tilespmem:$0x10800] =	vst v63  }
0x92: {  	v1 =	vld [tilespmem:$0x100]  }
0x93: {  	v2 =	vld [tilespmem:$0x300];
	_ =	sdelay $0x4  }
0x94: {  	v1 =	vshll.u32 v1, $0x1;
	v2 =	vadd.s32 v0, v2  }
0x95: {  	v1 =	vadd.s32 v1, v2;
	_ =	sdelay $0x4  }
0x96: {  	[tilespmem:s11], [sflag:$0x5] =	stream.indirect_vreg.gather [spmem:s2], $0x80, v1, vm0, $0xb8;
	[tilespmem:$0x10800] =	vst v63  }
0x97: {  	v1 =	vld [tilespmem:$0x110]  }
0x98: {  	v2 =	vld [tilespmem:$0x310];
	_ =	sdelay $0x4  }
0x99: {  	v1 =	vshll.u32 v1, $0x1;
	v2 =	vadd.s32 v0, v2  }
0x9a: {  	v1 =	vadd.s32 v1, v2;
	_ =	sdelay $0x3  }
0x9b: {  	s14 =	rddreg [dreg:$0x1f]  }
0x9c: {  	[tilespmem:s14], [sflag:$0x5] =	stream.indirect_vreg.gather [spmem:s2], $0x80, v1, vm0, $0xb8;
	[tilespmem:$0x10800] =	vst v63  }
0x9d: {  	v1 =	vld [tilespmem:$0x120]  }
0x9e: {  	v2 =	vld [tilespmem:$0x320];
	_ =	sdelay $0x4  }
0x9f: {  	v1 =	vshll.u32 v1, $0x1;
	v2 =	vadd.s32 v0, v2  }
0xa0: {  	v1 =	vadd.s32 v1, v2;
	_ =	sdelay $0x1  }
0xa1: {  	s13 =	sld [smem:$0x7FB];
	_ =	sdelay $0x2  }
0xa2: {  	[tilespmem:s13], [sflag:$0x5] =	stream.indirect_vreg.gather [spmem:s2], $0x80, v1, vm0, $0xb8;
	[tilespmem:$0x10800] =	vst v63  }
0xa3: {  	v1 =	vld [tilespmem:$0x130]  }
0xa4: {  	v2 =	vld [tilespmem:$0x330];
	_ =	sdelay $0x4  }
0xa5: {  	v1 =	vshll.u32 v1, $0x1;
	v2 =	vadd.s32 v0, v2  }
0xa6: {  	v1 =	vadd.s32 v1, v2;
	_ =	sdelay $0x1  }
0xa7: {  	s14 =	sld [smem:$0x7FC];
	_ =	sdelay $0x2  }
0xa8: {  	[tilespmem:s14], [sflag:$0x5] =	stream.indirect_vreg.gather [spmem:s2], $0x80, v1, vm0, $0xb8;
	[tilespmem:$0x10800] =	vst v63  }
0xa9: {  	v1 =	vld [tilespmem:$0x140]  }
0xaa: {  	v2 =	vld [tilespmem:$0x340];
	_ =	sdelay $0x4  }
0xab: {  	v1 =	vshll.u32 v1, $0x1;
	v2 =	vadd.s32 v0, v2  }
0xac: {  	v1 =	vadd.s32 v1, v2;
	_ =	sdelay $0x4  }
0xad: {  	[tilespmem:s12], [sflag:$0x6] =	stream.indirect_vreg.gather [spmem:s2], $0x80, v1, vm0, $0xb8;
	[tilespmem:$0x10800] =	vst v63  }
0xae: {  	v1 =	vld [tilespmem:$0x150]  }
0xaf: {  	v2 =	vld [tilespmem:$0x350];
	_ =	sdelay $0x4  }
0xb0: {  	v1 =	vshll.u32 v1, $0x1;
	v2 =	vadd.s32 v0, v2  }
0xb1: {  	v1 =	vadd.s32 v1, v2;
	_ =	sdelay $0x1  }
0xb2: {  	s13 =	sld [smem:$0x7FD];
	_ =	sdelay $0x2  }
0xb3: {  	[tilespmem:s13], [sflag:$0x6] =	stream.indirect_vreg.gather [spmem:s2], $0x80, v1, vm0, $0xb8;
	[tilespmem:$0x10800] =	vst v63  }
0xb4: {  	v1 =	vld [tilespmem:$0x160]  }
0xb5: {  	v2 =	vld [tilespmem:$0x360];
	_ =	sdelay $0x4  }
0xb6: {  	v1 =	vshll.u32 v1, $0x1;
	v2 =	vadd.s32 v0, v2  }
0xb7: {  	v1 =	vadd.s32 v1, v2;
	_ =	sdelay $0x3  }
0xb8: {  	s14 =	simm.s32 $0xB800  }
0xb9: {  	[tilespmem:s14], [sflag:$0x6] =	stream.indirect_vreg.gather [spmem:s2], $0x80, v1, vm0, $0xb8;
	[tilespmem:$0x10800] =	vst v63  }
0xba: {  	v1 =	vld [tilespmem:$0x170]  }
0xbb: {  	v2 =	vld [tilespmem:$0x370];
	_ =	sdelay $0x4  }
0xbc: {  	v1 =	vshll.u32 v1, $0x1;
	v2 =	vadd.s32 v0, v2  }
0xbd: {  	v1 =	vadd.s32 v1, v2;
	_ =	sdelay $0x3  }
0xbe: {  	s13 =	simm.s32 $0xC000  }
0xbf: {  	[tilespmem:s13], [sflag:$0x6] =	stream.indirect_vreg.gather [spmem:s2], $0x80, v1, vm0, $0xb8;
	[tilespmem:$0x10800] =	vst v63  }
0xc0: {  	v1 =	vld [tilespmem:$0x180]  }
0xc1: {  	v2 =	vld [tilespmem:$0x380];
	_ =	sdelay $0x4  }
0xc2: {  	v1 =	vshll.u32 v1, $0x1;
	v2 =	vadd.s32 v0, v2  }
0xc3: {  	v1 =	vadd.s32 v1, v2;
	_ =	sdelay $0x4  }
0xc4: {  	[tilespmem:s15], [sflag:$0x7] =	stream.indirect_vreg.gather [spmem:s2], $0x80, v1, vm0, $0xb8;
	[tilespmem:$0x10800] =	vst v63  }
0xc5: {  	v1 =	vld [tilespmem:$0x190]  }
0xc6: {  	v2 =	vld [tilespmem:$0x390];
	_ =	sdelay $0x4  }
0xc7: {  	v1 =	vshll.u32 v1, $0x1;
	v2 =	vadd.s32 v0, v2  }
0xc8: {  	v1 =	vadd.s32 v1, v2;
	_ =	sdelay $0x4  }
0xc9: {  	[tilespmem:s16], [sflag:$0x7] =	stream.indirect_vreg.gather [spmem:s2], $0x80, v1, vm0, $0xb8;
	[tilespmem:$0x10800] =	vst v63  }
0xca: {  	v1 =	vld [tilespmem:$0x1A0]  }
0xcb: {  	v2 =	vld [tilespmem:$0x3A0];
	_ =	sdelay $0x4  }
0xcc: {  	v1 =	vshll.u32 v1, $0x1;
	v2 =	vadd.s32 v0, v2  }
0xcd: {  	v1 =	vadd.s32 v1, v2;
	_ =	sdelay $0x4  }
0xce: {  	[tilespmem:s17], [sflag:$0x7] =	stream.indirect_vreg.gather [spmem:s2], $0x80, v1, vm0, $0xb8;
	[tilespmem:$0x10800] =	vst v63  }
0xcf: {  	v1 =	vld [tilespmem:$0x1B0]  }
0xd0: {  	v2 =	vld [tilespmem:$0x3B0];
	_ =	sdelay $0x4  }
0xd1: {  	v1 =	vshll.u32 v1, $0x1;
	v2 =	vadd.s32 v0, v2  }
0xd2: {  	v1 =	vadd.s32 v1, v2;
	_ =	sdelay $0x4  }
0xd3: {  	[tilespmem:s18], [sflag:$0x7] =	stream.indirect_vreg.gather [spmem:s2], $0x80, v1, vm0, $0xb8;
	[tilespmem:$0x10800] =	vst v63  }
0xd4: {  	v1 =	vld [tilespmem:$0x1C0]  }
0xd5: {  	v2 =	vld [tilespmem:$0x3C0];
	_ =	sdelay $0x4  }
0xd6: {  	v1 =	vshll.u32 v1, $0x1;
	v2 =	vadd.s32 v0, v2  }
0xd7: {  	v1 =	vadd.s32 v1, v2;
	_ =	sdelay $0x4  }
0xd8: {  	[tilespmem:s19], [sflag:$0x8] =	stream.indirect_vreg.gather [spmem:s2], $0x80, v1, vm0, $0xb8;
	[tilespmem:$0x10800] =	vst v63  }
0xd9: {  	v1 =	vld [tilespmem:$0x1D0]  }
0xda: {  	v2 =	vld [tilespmem:$0x3D0];
	_ =	sdelay $0x4  }
0xdb: {  	v1 =	vshll.u32 v1, $0x1;
	v2 =	vadd.s32 v0, v2  }
0xdc: {  	v1 =	vadd.s32 v1, v2;
	_ =	sdelay $0x4  }
0xdd: {  	[tilespmem:s20], [sflag:$0x8] =	stream.indirect_vreg.gather [spmem:s2], $0x80, v1, vm0, $0xb8;
	[tilespmem:$0x10800] =	vst v63  }
0xde: {  	v1 =	vld [tilespmem:$0x1E0]  }
0xdf: {  	v2 =	vld [tilespmem:$0x3E0];
	_ =	sdelay $0x4  }
0xe0: {  	v1 =	vshll.u32 v1, $0x1;
	v2 =	vadd.s32 v0, v2  }
0xe1: {  	v1 =	vadd.s32 v1, v2;
	_ =	sdelay $0x4  }
0xe2: {  	[tilespmem:s21], [sflag:$0x8] =	stream.indirect_vreg.gather [spmem:s2], $0x80, v1, vm0, $0xb8;
	[tilespmem:$0x10800] =	vst v63  }
0xe3: {  	v1 =	vld [tilespmem:$0x1F0]  }
0xe4: {  	v2 =	vld [tilespmem:$0x3F0];
	_ =	sdelay $0x4  }
0xe5: {  	v1 =	vshll.u32 v1, $0x1;
	v2 =	vadd.s32 v0, v2  }
0xe6: {  	v1 =	vadd.s32 v1, v2;
	_ =	sdelay $0x4  }
0xe7: {  	[tilespmem:s22], [sflag:$0x8] =	stream.indirect_vreg.gather [spmem:s2], $0x80, v1, vm0, $0xb8;
	[tilespmem:$0x10800] =	vst v63  }
0xe8: {  	_ =	swait.ge [sflag:s23], $0x2000  }
0xe9: {  	[sflag:s23] =	ssyncset.done $0x0  }
0xea: {  	[sflag:s23] =	ssyncadd.s32 $0xFFFFE000  }
0xeb: {  	[hbm4b:s4+s3] =	stream.linear.scatter [tilespmem:s7], [sflag:$0x9], $0x2000, $0x38;
	[tilespmem:$0x10800] =	vst v63  }
0xec: {  	_ =	swait.ge [sflag:s24], $0x2000  }
0xed: {  	[sflag:s24] =	ssyncset.done $0x0  }
0xee: {  	s14 =	rddreg [dreg:$0xa];
	[sflag:s24] =	ssyncadd.s32 $0xFFFFE000  }
0xef: {  	[hbm4b:s14+s3] =	stream.linear.scatter [tilespmem:s8], [sflag:$0x9], $0x2000, $0x38;
	[tilespmem:$0x10800] =	vst v63  }
0xf0: {  	_ =	swait.ge [sflag:s25], $0x2000  }
0xf1: {  	[sflag:s25] =	ssyncset.done $0x0  }
0xf2: {  	s13 =	rddreg [dreg:$0xb];
	[sflag:s25] =	ssyncadd.s32 $0xFFFFE000  }
0xf3: {  	[hbm4b:s13+s3] =	stream.linear.scatter [tilespmem:s9], [sflag:$0x9], $0x2000, $0x38;
	[tilespmem:$0x10800] =	vst v63  }
0xf4: {  	_ =	swait.ge [sflag:s26], $0x2000  }
0xf5: {  	[sflag:s26] =	ssyncset.done $0x0  }
0xf6: {  	s14 =	rddreg [dreg:$0xc];
	[sflag:s26] =	ssyncadd.s32 $0xFFFFE000  }
0xf7: {  	[hbm4b:s14+s3] =	stream.linear.scatter [tilespmem:s10], [sflag:$0x9], $0x2000, $0x38;
	[tilespmem:$0x10800] =	vst v63  }
0xf8: {  	_ =	swait.ge [sflag:s28], $0x2000  }
0xf9: {  	[sflag:s28] =	ssyncset.done $0x0  }
0xfa: {  	s13 =	rddreg [dreg:$0xd];
	[sflag:s28] =	ssyncadd.s32 $0xFFFFE000  }
0xfb: {  	[hbm4b:s13+s3] =	stream.linear.scatter [tilespmem:s11], [sflag:$0x9], $0x2000, $0x38;
	[tilespmem:$0x10800] =	vst v63  }
0xfc: {  	_ =	swait.ge [sflag:s29], $0x2000  }
0xfd: {  	[sflag:s29] =	ssyncset.done $0x0  }
0xfe: {  	s14 =	rddreg [dreg:$0xe];
	[sflag:s29] =	ssyncadd.s32 $0xFFFFE000  }
0xff: {  	[hbm4b:s14+s3] =	stream.linear.scatter [tilespmem:s12], [sflag:$0x9], $0x2000, $0x38;
	[tilespmem:$0x10800] =	vst v63  }
0x100: {  	_ =	swait.ge [sflag:s30], $0x2000  }
0x101: {  	[sflag:s30] =	ssyncset.done $0x0  }
0x102: {  	s13 =	rddreg [dreg:$0xf];
	[sflag:s30] =	ssyncadd.s32 $0xFFFFE000  }
0x103: {  	[hbm4b:s13+s3] =	stream.linear.scatter [tilespmem:s15], [sflag:$0x9], $0x2000, $0x38;
	[tilespmem:$0x10800] =	vst v63  }
0x104: {  	_ =	swait.ge [sflag:s31], $0x2000  }
0x105: {  	[sflag:s31] =	ssyncset.done $0x0  }
0x106: {  	s14 =	rddreg [dreg:$0x10];
	[sflag:s31] =	ssyncadd.s32 $0xFFFFE000  }
0x107: {  	[hbm4b:s14+s3] =	stream.linear.scatter [tilespmem:s19], [sflag:$0x9], $0x2000, $0x38;
	[tilespmem:$0x10800] =	vst v63  }
0x108: {  	_ =	swait.ge [sflag:s0], $0x2000  }
0x109: {  	[sflag:s0] =	ssyncset.done $0x0  }
0x10a: {  	[sflag:s0] =	ssyncadd.s32 $0xFFFFE000  }
0x10b: {  	_ =	swait.ge [sflag:s0], $0x2000  }
0x10c: {  	[sflag:s0] =	ssyncset.done $0x0  }
0x10d: {  	[sflag:s0] =	ssyncadd.s32 $0xFFFFE000  }
0x10e: {  	_ =	swait.ge [sflag:s0], $0x2000  }
0x10f: {  	[sflag:s0] =	ssyncset.done $0x0  }
0x110: {  	[sflag:s0] =	ssyncadd.s32 $0xFFFFE000  }
0x111: {  	_ =	swait.ge [sflag:s0], $0x2000  }
0x112: {  	[sflag:s0] =	ssyncset.done $0x0  }
0x113: {  	[sflag:s0] =	ssyncadd.s32 $0xFFFFE000  }
0x114: {  	_ =	swait.ge [sflag:s0], $0x2000  }
0x115: {  	[sflag:s0] =	ssyncset.done $0x0  }
0x116: {  	[sflag:s0] =	ssyncadd.s32 $0xFFFFE000  }
0x117: {  	_ =	swait.ge [sflag:s0], $0x2000  }
0x118: {  	[sflag:s0] =	ssyncset.done $0x0  }
0x119: {  	[sflag:s0] =	ssyncadd.s32 $0xFFFFE000  }
0x11a: {  	p0 =	sne.s32 s5, $0x1;
	_ =	swait.ge [sflag:s0], $0x2000  }
.Ltmp0:
0x11b: {  	[sflag:s0] =	ssyncset.done $0x0;
	(pc) =	sbr.rel @p0 .LBB2_1-.Ltmp0, $4  }
0x11c: {  	[sflag:s0] =	ssyncadd.s32 $0xFFFFE000  }
0x11d: {  	_ =	swait.ge [sflag:s0], $0x2000  }
0x11e: {  	[sflag:s0] =	ssyncset.done $0x0  }
0x11f: {  	s5 =	sadd.s32 $0xFFFFFFFF, s5;
	[sflag:s0] =	ssyncadd.s32 $0xFFFFE000  }
0x120: {  	_ =	sfence.sel $0x180000  }
0x121: {  	[bflag:$0x0] =	sbarrier.arrive $0xFFFF  }
0x122: {  	_ =	strace $0x90000047  }
0x123: {  	s0 =	stileid.u32;
	[bflag:$0x2] =	sbarrier.arrive $0xFFFF  }
0x124: {  	p0 =	sne.s32 s0, $0x0;
	s0 =	rddreg [dreg:$0x5]  }
0x125: {  	s0 =	sadd.s32 @!p0 $0x100000, s0  }
0x126: {  	[sflag:s0] =	ssyncadd.tile.s32 @!p0 $0x1;
	_ =	shalt  }
.Lfunc_end2:
_tile_overlayer_lowered:
.L_overlay_start_2:
0x127: {  	(tag) =	ssettag $0x2  }
0x128: {  	s0 =	rddreg [dreg:$0x0];
	s2 =	stileid.u32  }
0x129: {  	s1 =	rddreg [dreg:$0x1];
	p0 =	sne.s32 s2, $0x0  }
0x12a: {  	s3 =	rddreg [dreg:$0x2];
	[bflag:$0x3] =	sbarrier.arrive $0xFFFF;
	s2 =	simm.s32 @!p0 $0x1C0A  }
0x12b: {  	[timem:s3], [sflag:s2] =	dma.local @!p0 [hbm:s0], s1  }
0x12c: {  	s0 =	simm.s32 @!p0 $0xA  }
0x12d: {  	_ =	swait.ge @!p0 [sflag:s0], s1  }
0x12e: {  	s1 =	ssub.s32 @!p0 $0x0, s1;
	[sflag:s0] =	ssyncset.done @!p0 $0x0  }
0x12f: {  	[sflag:s0] =	ssyncadd.s32 @!p0 s1  }
0x130: {  	[bflag:$0x3] =	sbarrier.arrive $0xFFFF  }
0x131: {  	_ =	shalt  }

</sc_bundles>
